<compile_context>
chip_gen: v7x
topology: tpu7x:2x2x1
jax: 0.10.2.dev20260603
libtpu: 0.0.44.dev20260713+nightly
codegen_flags: <defaults>
</compile_context>

<pallas_src>
import functools

import jax
import jax.numpy as jnp
from jax import lax
from jax.experimental import pallas as pl
from jax.experimental.pallas import tpu as pltpu
from jax.experimental.pallas import tpu_sc as plsc

NC = 2
NS = 16
NW = NC * NS

G = 8
IDX_COLS = 64
GW = 56
PAD_IDX = 2**30

_mesh = plsc.VectorSubcoreMesh(core_axis_name="c", subcore_axis_name="s")


def _gather(x_pad, hist, embeddings):
    batch = x_pad.shape[0]
    d = embeddings.shape[1]
    assert batch % (NW * 2 * G) == 0
    rows_per_w = batch // NW
    n_pairs = rows_per_w // (2 * G)

    @functools.partial(
        pl.kernel,
        mesh=_mesh,
        compiler_params=pltpu.CompilerParams(use_tc_tiling_on_sc=False),
        out_type=jax.ShapeDtypeStruct((batch, hist, d), embeddings.dtype),
        scratch_types=[
            pltpu.VMEM((rows_per_w, IDX_COLS), jnp.int32),
            pltpu.VMEM((G, GW, d), jnp.float32),
            pltpu.VMEM((G, GW, d), jnp.float32),
            pltpu.SemaphoreType.DMA,
            pltpu.SemaphoreType.DMA,
            pltpu.SemaphoreType.DMA,
            pltpu.SemaphoreType.DMA,
        ],
    )
    def gather_kernel(emb_hbm, idx_hbm, out_hbm, idx_v, rows_a, rows_b,
                      gsem_a, gsem_b, osem_a, osem_b):
        wid = lax.axis_index("s") * NC + lax.axis_index("c")
        row0 = wid * rows_per_w
        pltpu.sync_copy(idx_hbm.at[pl.ds(row0, rows_per_w), pl.ds(0, IDX_COLS)],
                        idx_v)

        def row_indices(r):
            return plsc.Indices(idx_v.at[r, pl.ds(0, GW)],
                                ignored_value=PAD_IDX)

        def gather_start(g, rows_v, gsem):
            for j in range(G):
                pltpu.async_copy(emb_hbm.at[row_indices(g * G + j)],
                                 rows_v.at[j], gsem)

        def gather_wait(rows_v, gsem):
            for j in range(G):
                pltpu.make_async_copy(emb_hbm.at[row_indices(0)],
                                      rows_v.at[j], gsem).wait()

        def out_start(g, rows_v, osem):
            pltpu.async_copy(rows_v.at[pl.ds(0, G), pl.ds(0, hist)],
                             out_hbm.at[pl.ds(row0 + g * G, G)], osem)

        def out_wait(rows_v, osem):
            pltpu.make_async_copy(rows_v.at[pl.ds(0, G), pl.ds(0, hist)],
                                  out_hbm.at[pl.ds(row0, G)], osem).wait()

        gather_start(0, rows_a, gsem_a)
        gather_start(1, rows_b, gsem_b)

        @pl.loop(0, n_pairs - 1)
        def _(i):
            g0 = i * 2
            gather_wait(rows_a, gsem_a)
            out_start(g0, rows_a, osem_a)
            gather_wait(rows_b, gsem_b)
            out_start(g0 + 1, rows_b, osem_b)
            out_wait(rows_a, osem_a)
            gather_start(g0 + 2, rows_a, gsem_a)
            out_wait(rows_b, osem_b)
            gather_start(g0 + 3, rows_b, gsem_b)

        g_last = (n_pairs - 1) * 2
        gather_wait(rows_a, gsem_a)
        out_start(g_last, rows_a, osem_a)
        gather_wait(rows_b, gsem_b)
        out_start(g_last + 1, rows_b, osem_b)
        out_wait(rows_a, osem_a)
        out_wait(rows_b, osem_b)

    return gather_kernel(embeddings, x_pad)


def kernel(x, embeddings):
    batch, hist = x.shape
    x_pad = jnp.pad(x, ((0, 0), (0, 128 - hist)), constant_values=PAD_IDX)
    return _gather(x_pad, hist, embeddings)

# --- scband reference (transcript-rebuilt; emitter-appended) ---
"""Pipeline reference for scband-token-embedding-30193620091365 (READ-ONLY COPY).

The authoritative reference and input builder live on the scoring server;
editing this copy changes nothing except your own understanding.
"""

import jax, jax.numpy as jnp
import numpy as np

CODEBOOK_SIZE = 1000000
EMBED_DIM = 64
BATCH = 16384
HIST = 50

def setup_inputs(seed: int = 0) -> dict:
    key = jax.random.key(seed)
    k1, k2 = jax.random.split(key)
    x = jax.random.randint(k1, (BATCH, HIST), 0, CODEBOOK_SIZE, dtype=jnp.int32)
    embeddings = jax.random.normal(k2, (CODEBOOK_SIZE, EMBED_DIM), dtype=jnp.float32) * 0.02
    return {"x": x, "embeddings": embeddings}

def reference(x, embeddings):
    # Faithful translation of tf.gather(self.embeddings, x)
    return jnp.take(embeddings, x, axis=0)

if __name__ == "__main__":
    import jax
    _d = setup_inputs()
    print(jax.jit(kernel)(*tuple(_d.values())))

</pallas_src>

<mosaic_0001>
#map = affine_map<(d0, d1) -> (0, 0)>
#map1 = affine_map<(d0, d1) -> (0, 0, 0)>
module attributes {stable_mosaic.version = 14 : i64} {
  func.func @gather_kernel(%arg0: i32, %arg1: i32, %arg2: memref<1000000x64xf32, #tpu.memory_space<hbm>>, %arg3: memref<16384x128xi32, #tpu.memory_space<hbm>>, %arg4: memref<16384x50x64xf32, #tpu.memory_space<hbm>>, %arg5: memref<512x64xi32, #tpu.memory_space<vmem>>, %arg6: memref<8x56x64xf32, #tpu.memory_space<vmem>>, %arg7: memref<8x56x64xf32, #tpu.memory_space<vmem>>, %arg8: memref<!tpu.dma_semaphore, #tpu.memory_space<semaphore_mem>>, %arg9: memref<!tpu.dma_semaphore, #tpu.memory_space<semaphore_mem>>, %arg10: memref<!tpu.dma_semaphore, #tpu.memory_space<semaphore_mem>>, %arg11: memref<!tpu.dma_semaphore, #tpu.memory_space<semaphore_mem>>) attributes {dimension_semantics = [#tpu.dimension_semantics<core_parallel>, #tpu.dimension_semantics<subcore_parallel>], iteration_bounds = array<i64: 2, 16>, scalar_prefetch = 0 : i64, scratch_operands = 7 : i64, tpu.core_type = #tpu.core_type<sc_vector_subcore>, window_params = [{transform_indices = #map}, {transform_indices = #map}, {transform_indices = #map1}]} {
    %mul3A = arith.constant 2 : i32
    %mul3A_0 = arith.muli %arg1, %mul3A : i32
    %add3A = arith.addi %mul3A_0, %arg0 : i32
    %mul3A_1 = arith.constant 512 : i32
    %mul3A_2 = arith.muli %add3A, %mul3A_1 : i32
    "tpu.region"() ({
      %run_scoped3A = tpu.sem_alloc : memref<!tpu.dma_semaphore, #tpu.memory_space<semaphore_mem>>
      %dma_start3A_465 = arith.constant 0 : i32
      %dma_start3A_466 = tpu.memref_slice %arg3[%mul3A_2, %dma_start3A_465] : memref<16384x128xi32, #tpu.memory_space<hbm>> -> memref<512x64xi32, #tpu.memory_space<hbm>>
      %dma_start3A_467 = arith.constant 0 : i32
      %dma_start3A_468 = tpu.memref_slice %arg3[%mul3A_2, %dma_start3A_467] : memref<16384x128xi32, #tpu.memory_space<hbm>> -> memref<512x64xi32, #tpu.memory_space<hbm>>
      tpu.enqueue_dma source(%dma_start3A_468 : memref<512x64xi32, #tpu.memory_space<hbm>>) target(%arg5 : memref<512x64xi32, #tpu.memory_space<vmem>>) target_semaphore(%run_scoped3A : memref<!tpu.dma_semaphore, #tpu.memory_space<semaphore_mem>>)
      %dma_wait3A_469 = arith.constant 0 : i32
      %dma_wait3A_470 = tpu.memref_slice %arg3[%mul3A_2, %dma_wait3A_469] : memref<16384x128xi32, #tpu.memory_space<hbm>> -> memref<512x64xi32, #tpu.memory_space<hbm>>
      %dma_wait3A_471 = arith.constant 0 : i32
      %dma_wait3A_472 = tpu.memref_slice %arg3[%mul3A_2, %dma_wait3A_471] : memref<16384x128xi32, #tpu.memory_space<hbm>> -> memref<512x64xi32, #tpu.memory_space<hbm>>
      tpu.wait_dma2 semaphore(%run_scoped3A : memref<!tpu.dma_semaphore, #tpu.memory_space<semaphore_mem>>) src(%dma_wait3A_472 : memref<512x64xi32, #tpu.memory_space<hbm>>) dst(%arg5 : memref<512x64xi32, #tpu.memory_space<vmem>>)
      tpu.yield
    }) : () -> ()
    %dma_start3A = arith.constant 0 : i32
    %dma_start3A_3 = arith.constant 0 : i32
    %dma_start3A_4 = arith.constant 0 : i32
    %dma_start3A_5 = arith.constant 0 : i32
    %dma_start3A_6 = tpu.memref_slice %arg6[%dma_start3A_3, %dma_start3A_4, %dma_start3A_5] : memref<8x56x64xf32, #tpu.memory_space<vmem>> -> memref<1x56x64xf32, #tpu.memory_space<vmem>>
    %dma_start3A_7 = tpu.memref_squeeze %dma_start3A_6 : memref<1x56x64xf32, #tpu.memory_space<vmem>> -> memref<56x64xf32, #tpu.memory_space<vmem>>
    %dma_start3A_8 = arith.constant 0 : i32
    %dma_start3A_9 = tpu.memref_slice %arg5[%dma_start3A, %dma_start3A_8] : memref<512x64xi32, #tpu.memory_space<vmem>> -> memref<1x56xi32, #tpu.memory_space<vmem>>
    %dma_start3A_10 = tpu.memref_squeeze %dma_start3A_9 : memref<1x56xi32, #tpu.memory_space<vmem>> -> memref<56xi32, #tpu.memory_space<vmem>>
    %dma_start3A_11 = arith.constant 0 : i32
    %dma_start3A_12 = arith.constant 0 : i32
    %dma_start3A_13 = tpu.memref_slice %arg2[%dma_start3A_11, %dma_start3A_12] : memref<1000000x64xf32, #tpu.memory_space<hbm>> -> memref<1000000x64xf32, #tpu.memory_space<hbm>>
    %dma_start3A_14 = arith.constant 1073741824 : i32
    tpu.enqueue_indirect_dma source(%dma_start3A_13 : memref<1000000x64xf32, #tpu.memory_space<hbm>>) target(%dma_start3A_7 : memref<56x64xf32, #tpu.memory_space<vmem>>) offsets(%dma_start3A_10 : memref<56xi32, #tpu.memory_space<vmem>>) offset_filter(%dma_start3A_14) semaphore(%arg8 : memref<!tpu.dma_semaphore, #tpu.memory_space<semaphore_mem>>)
    %dma_start3A_15 = arith.constant 1 : i32
    %dma_start3A_16 = arith.constant 1 : i32
    %dma_start3A_17 = arith.constant 0 : i32
    %dma_start3A_18 = arith.constant 0 : i32
    %dma_start3A_19 = tpu.memref_slice %arg6[%dma_start3A_16, %dma_start3A_17, %dma_start3A_18] : memref<8x56x64xf32, #tpu.memory_space<vmem>> -> memref<1x56x64xf32, #tpu.memory_space<vmem>>
    %dma_start3A_20 = tpu.memref_squeeze %dma_start3A_19 : memref<1x56x64xf32, #tpu.memory_space<vmem>> -> memref<56x64xf32, #tpu.memory_space<vmem>>
    %dma_start3A_21 = arith.constant 0 : i32
    %dma_start3A_22 = tpu.memref_slice %arg5[%dma_start3A_15, %dma_start3A_21] : memref<512x64xi32, #tpu.memory_space<vmem>> -> memref<1x56xi32, #tpu.memory_space<vmem>>
    %dma_start3A_23 = tpu.memref_squeeze %dma_start3A_22 : memref<1x56xi32, #tpu.memory_space<vmem>> -> memref<56xi32, #tpu.memory_space<vmem>>
    %dma_start3A_24 = arith.constant 0 : i32
    %dma_start3A_25 = arith.constant 0 : i32
    %dma_start3A_26 = tpu.memref_slice %arg2[%dma_start3A_24, %dma_start3A_25] : memref<1000000x64xf32, #tpu.memory_space<hbm>> -> memref<1000000x64xf32, #tpu.memory_space<hbm>>
    %dma_start3A_27 = arith.constant 1073741824 : i32
    tpu.enqueue_indirect_dma source(%dma_start3A_26 : memref<1000000x64xf32, #tpu.memory_space<hbm>>) target(%dma_start3A_20 : memref<56x64xf32, #tpu.memory_space<vmem>>) offsets(%dma_start3A_23 : memref<56xi32, #tpu.memory_space<vmem>>) offset_filter(%dma_start3A_27) semaphore(%arg8 : memref<!tpu.dma_semaphore, #tpu.memory_space<semaphore_mem>>)
    %dma_start3A_28 = arith.constant 2 : i32
    %dma_start3A_29 = arith.constant 2 : i32
    %dma_start3A_30 = arith.constant 0 : i32
    %dma_start3A_31 = arith.constant 0 : i32
    %dma_start3A_32 = tpu.memref_slice %arg6[%dma_start3A_29, %dma_start3A_30, %dma_start3A_31] : memref<8x56x64xf32, #tpu.memory_space<vmem>> -> memref<1x56x64xf32, #tpu.memory_space<vmem>>
    %dma_start3A_33 = tpu.memref_squeeze %dma_start3A_32 : memref<1x56x64xf32, #tpu.memory_space<vmem>> -> memref<56x64xf32, #tpu.memory_space<vmem>>
    %dma_start3A_34 = arith.constant 0 : i32
    %dma_start3A_35 = tpu.memref_slice %arg5[%dma_start3A_28, %dma_start3A_34] : memref<512x64xi32, #tpu.memory_space<vmem>> -> memref<1x56xi32, #tpu.memory_space<vmem>>
    %dma_start3A_36 = tpu.memref_squeeze %dma_start3A_35 : memref<1x56xi32, #tpu.memory_space<vmem>> -> memref<56xi32, #tpu.memory_space<vmem>>
    %dma_start3A_37 = arith.constant 0 : i32
    %dma_start3A_38 = arith.constant 0 : i32
    %dma_start3A_39 = tpu.memref_slice %arg2[%dma_start3A_37, %dma_start3A_38] : memref<1000000x64xf32, #tpu.memory_space<hbm>> -> memref<1000000x64xf32, #tpu.memory_space<hbm>>
    %dma_start3A_40 = arith.constant 1073741824 : i32
    tpu.enqueue_indirect_dma source(%dma_start3A_39 : memref<1000000x64xf32, #tpu.memory_space<hbm>>) target(%dma_start3A_33 : memref<56x64xf32, #tpu.memory_space<vmem>>) offsets(%dma_start3A_36 : memref<56xi32, #tpu.memory_space<vmem>>) offset_filter(%dma_start3A_40) semaphore(%arg8 : memref<!tpu.dma_semaphore, #tpu.memory_space<semaphore_mem>>)
    %dma_start3A_41 = arith.constant 3 : i32
    %dma_start3A_42 = arith.constant 3 : i32
    %dma_start3A_43 = arith.constant 0 : i32
    %dma_start3A_44 = arith.constant 0 : i32
    %dma_start3A_45 = tpu.memref_slice %arg6[%dma_start3A_42, %dma_start3A_43, %dma_start3A_44] : memref<8x56x64xf32, #tpu.memory_space<vmem>> -> memref<1x56x64xf32, #tpu.memory_space<vmem>>
    %dma_start3A_46 = tpu.memref_squeeze %dma_start3A_45 : memref<1x56x64xf32, #tpu.memory_space<vmem>> -> memref<56x64xf32, #tpu.memory_space<vmem>>
    %dma_start3A_47 = arith.constant 0 : i32
    %dma_start3A_48 = tpu.memref_slice %arg5[%dma_start3A_41, %dma_start3A_47] : memref<512x64xi32, #tpu.memory_space<vmem>> -> memref<1x56xi32, #tpu.memory_space<vmem>>
    %dma_start3A_49 = tpu.memref_squeeze %dma_start3A_48 : memref<1x56xi32, #tpu.memory_space<vmem>> -> memref<56xi32, #tpu.memory_space<vmem>>
    %dma_start3A_50 = arith.constant 0 : i32
    %dma_start3A_51 = arith.constant 0 : i32
    %dma_start3A_52 = tpu.memref_slice %arg2[%dma_start3A_50, %dma_start3A_51] : memref<1000000x64xf32, #tpu.memory_space<hbm>> -> memref<1000000x64xf32, #tpu.memory_space<hbm>>
    %dma_start3A_53 = arith.constant 1073741824 : i32
    tpu.enqueue_indirect_dma source(%dma_start3A_52 : memref<1000000x64xf32, #tpu.memory_space<hbm>>) target(%dma_start3A_46 : memref<56x64xf32, #tpu.memory_space<vmem>>) offsets(%dma_start3A_49 : memref<56xi32, #tpu.memory_space<vmem>>) offset_filter(%dma_start3A_53) semaphore(%arg8 : memref<!tpu.dma_semaphore, #tpu.memory_space<semaphore_mem>>)
    %dma_start3A_54 = arith.constant 4 : i32
    %dma_start3A_55 = arith.constant 4 : i32
    %dma_start3A_56 = arith.constant 0 : i32
    %dma_start3A_57 = arith.constant 0 : i32
    %dma_start3A_58 = tpu.memref_slice %arg6[%dma_start3A_55, %dma_start3A_56, %dma_start3A_57] : memref<8x56x64xf32, #tpu.memory_space<vmem>> -> memref<1x56x64xf32, #tpu.memory_space<vmem>>
    %dma_start3A_59 = tpu.memref_squeeze %dma_start3A_58 : memref<1x56x64xf32, #tpu.memory_space<vmem>> -> memref<56x64xf32, #tpu.memory_space<vmem>>
    %dma_start3A_60 = arith.constant 0 : i32
    %dma_start3A_61 = tpu.memref_slice %arg5[%dma_start3A_54, %dma_start3A_60] : memref<512x64xi32, #tpu.memory_space<vmem>> -> memref<1x56xi32, #tpu.memory_space<vmem>>
    %dma_start3A_62 = tpu.memref_squeeze %dma_start3A_61 : memref<1x56xi32, #tpu.memory_space<vmem>> -> memref<56xi32, #tpu.memory_space<vmem>>
    %dma_start3A_63 = arith.constant 0 : i32
    %dma_start3A_64 = arith.constant 0 : i32
    %dma_start3A_65 = tpu.memref_slice %arg2[%dma_start3A_63, %dma_start3A_64] : memref<1000000x64xf32, #tpu.memory_space<hbm>> -> memref<1000000x64xf32, #tpu.memory_space<hbm>>
    %dma_start3A_66 = arith.constant 1073741824 : i32
    tpu.enqueue_indirect_dma source(%dma_start3A_65 : memref<1000000x64xf32, #tpu.memory_space<hbm>>) target(%dma_start3A_59 : memref<56x64xf32, #tpu.memory_space<vmem>>) offsets(%dma_start3A_62 : memref<56xi32, #tpu.memory_space<vmem>>) offset_filter(%dma_start3A_66) semaphore(%arg8 : memref<!tpu.dma_semaphore, #tpu.memory_space<semaphore_mem>>)
    %dma_start3A_67 = arith.constant 5 : i32
    %dma_start3A_68 = arith.constant 5 : i32
    %dma_start3A_69 = arith.constant 0 : i32
    %dma_start3A_70 = arith.constant 0 : i32
    %dma_start3A_71 = tpu.memref_slice %arg6[%dma_start3A_68, %dma_start3A_69, %dma_start3A_70] : memref<8x56x64xf32, #tpu.memory_space<vmem>> -> memref<1x56x64xf32, #tpu.memory_space<vmem>>
    %dma_start3A_72 = tpu.memref_squeeze %dma_start3A_71 : memref<1x56x64xf32, #tpu.memory_space<vmem>> -> memref<56x64xf32, #tpu.memory_space<vmem>>
    %dma_start3A_73 = arith.constant 0 : i32
    %dma_start3A_74 = tpu.memref_slice %arg5[%dma_start3A_67, %dma_start3A_73] : memref<512x64xi32, #tpu.memory_space<vmem>> -> memref<1x56xi32, #tpu.memory_space<vmem>>
    %dma_start3A_75 = tpu.memref_squeeze %dma_start3A_74 : memref<1x56xi32, #tpu.memory_space<vmem>> -> memref<56xi32, #tpu.memory_space<vmem>>
    %dma_start3A_76 = arith.constant 0 : i32
    %dma_start3A_77 = arith.constant 0 : i32
    %dma_start3A_78 = tpu.memref_slice %arg2[%dma_start3A_76, %dma_start3A_77] : memref<1000000x64xf32, #tpu.memory_space<hbm>> -> memref<1000000x64xf32, #tpu.memory_space<hbm>>
    %dma_start3A_79 = arith.constant 1073741824 : i32
    tpu.enqueue_indirect_dma source(%dma_start3A_78 : memref<1000000x64xf32, #tpu.memory_space<hbm>>) target(%dma_start3A_72 : memref<56x64xf32, #tpu.memory_space<vmem>>) offsets(%dma_start3A_75 : memref<56xi32, #tpu.memory_space<vmem>>) offset_filter(%dma_start3A_79) semaphore(%arg8 : memref<!tpu.dma_semaphore, #tpu.memory_space<semaphore_mem>>)
    %dma_start3A_80 = arith.constant 6 : i32
    %dma_start3A_81 = arith.constant 6 : i32
    %dma_start3A_82 = arith.constant 0 : i32
    %dma_start3A_83 = arith.constant 0 : i32
    %dma_start3A_84 = tpu.memref_slice %arg6[%dma_start3A_81, %dma_start3A_82, %dma_start3A_83] : memref<8x56x64xf32, #tpu.memory_space<vmem>> -> memref<1x56x64xf32, #tpu.memory_space<vmem>>
    %dma_start3A_85 = tpu.memref_squeeze %dma_start3A_84 : memref<1x56x64xf32, #tpu.memory_space<vmem>> -> memref<56x64xf32, #tpu.memory_space<vmem>>
    %dma_start3A_86 = arith.constant 0 : i32
    %dma_start3A_87 = tpu.memref_slice %arg5[%dma_start3A_80, %dma_start3A_86] : memref<512x64xi32, #tpu.memory_space<vmem>> -> memref<1x56xi32, #tpu.memory_space<vmem>>
    %dma_start3A_88 = tpu.memref_squeeze %dma_start3A_87 : memref<1x56xi32, #tpu.memory_space<vmem>> -> memref<56xi32, #tpu.memory_space<vmem>>
    %dma_start3A_89 = arith.constant 0 : i32
    %dma_start3A_90 = arith.constant 0 : i32
    %dma_start3A_91 = tpu.memref_slice %arg2[%dma_start3A_89, %dma_start3A_90] : memref<1000000x64xf32, #tpu.memory_space<hbm>> -> memref<1000000x64xf32, #tpu.memory_space<hbm>>
    %dma_start3A_92 = arith.constant 1073741824 : i32
    tpu.enqueue_indirect_dma source(%dma_start3A_91 : memref<1000000x64xf32, #tpu.memory_space<hbm>>) target(%dma_start3A_85 : memref<56x64xf32, #tpu.memory_space<vmem>>) offsets(%dma_start3A_88 : memref<56xi32, #tpu.memory_space<vmem>>) offset_filter(%dma_start3A_92) semaphore(%arg8 : memref<!tpu.dma_semaphore, #tpu.memory_space<semaphore_mem>>)
    %dma_start3A_93 = arith.constant 7 : i32
    %dma_start3A_94 = arith.constant 7 : i32
    %dma_start3A_95 = arith.constant 0 : i32
    %dma_start3A_96 = arith.constant 0 : i32
    %dma_start3A_97 = tpu.memref_slice %arg6[%dma_start3A_94, %dma_start3A_95, %dma_start3A_96] : memref<8x56x64xf32, #tpu.memory_space<vmem>> -> memref<1x56x64xf32, #tpu.memory_space<vmem>>
    %dma_start3A_98 = tpu.memref_squeeze %dma_start3A_97 : memref<1x56x64xf32, #tpu.memory_space<vmem>> -> memref<56x64xf32, #tpu.memory_space<vmem>>
    %dma_start3A_99 = arith.constant 0 : i32
    %dma_start3A_100 = tpu.memref_slice %arg5[%dma_start3A_93, %dma_start3A_99] : memref<512x64xi32, #tpu.memory_space<vmem>> -> memref<1x56xi32, #tpu.memory_space<vmem>>
    %dma_start3A_101 = tpu.memref_squeeze %dma_start3A_100 : memref<1x56xi32, #tpu.memory_space<vmem>> -> memref<56xi32, #tpu.memory_space<vmem>>
    %dma_start3A_102 = arith.constant 0 : i32
    %dma_start3A_103 = arith.constant 0 : i32
    %dma_start3A_104 = tpu.memref_slice %arg2[%dma_start3A_102, %dma_start3A_103] : memref<1000000x64xf32, #tpu.memory_space<hbm>> -> memref<1000000x64xf32, #tpu.memory_space<hbm>>
    %dma_start3A_105 = arith.constant 1073741824 : i32
    tpu.enqueue_indirect_dma source(%dma_start3A_104 : memref<1000000x64xf32, #tpu.memory_space<hbm>>) target(%dma_start3A_98 : memref<56x64xf32, #tpu.memory_space<vmem>>) offsets(%dma_start3A_101 : memref<56xi32, #tpu.memory_space<vmem>>) offset_filter(%dma_start3A_105) semaphore(%arg8 : memref<!tpu.dma_semaphore, #tpu.memory_space<semaphore_mem>>)
    %dma_start3A_106 = arith.constant 8 : i32
    %dma_start3A_107 = arith.constant 0 : i32
    %dma_start3A_108 = arith.constant 0 : i32
    %dma_start3A_109 = arith.constant 0 : i32
    %dma_start3A_110 = tpu.memref_slice %arg7[%dma_start3A_107, %dma_start3A_108, %dma_start3A_109] : memref<8x56x64xf32, #tpu.memory_space<vmem>> -> memref<1x56x64xf32, #tpu.memory_space<vmem>>
    %dma_start3A_111 = tpu.memref_squeeze %dma_start3A_110 : memref<1x56x64xf32, #tpu.memory_space<vmem>> -> memref<56x64xf32, #tpu.memory_space<vmem>>
    %dma_start3A_112 = arith.constant 0 : i32
    %dma_start3A_113 = tpu.memref_slice %arg5[%dma_start3A_106, %dma_start3A_112] : memref<512x64xi32, #tpu.memory_space<vmem>> -> memref<1x56xi32, #tpu.memory_space<vmem>>
    %dma_start3A_114 = tpu.memref_squeeze %dma_start3A_113 : memref<1x56xi32, #tpu.memory_space<vmem>> -> memref<56xi32, #tpu.memory_space<vmem>>
    %dma_start3A_115 = arith.constant 0 : i32
    %dma_start3A_116 = arith.constant 0 : i32
    %dma_start3A_117 = tpu.memref_slice %arg2[%dma_start3A_115, %dma_start3A_116] : memref<1000000x64xf32, #tpu.memory_space<hbm>> -> memref<1000000x64xf32, #tpu.memory_space<hbm>>
    %dma_start3A_118 = arith.constant 1073741824 : i32
    tpu.enqueue_indirect_dma source(%dma_start3A_117 : memref<1000000x64xf32, #tpu.memory_space<hbm>>) target(%dma_start3A_111 : memref<56x64xf32, #tpu.memory_space<vmem>>) offsets(%dma_start3A_114 : memref<56xi32, #tpu.memory_space<vmem>>) offset_filter(%dma_start3A_118) semaphore(%arg9 : memref<!tpu.dma_semaphore, #tpu.memory_space<semaphore_mem>>)
    %dma_start3A_119 = arith.constant 9 : i32
    %dma_start3A_120 = arith.constant 1 : i32
    %dma_start3A_121 = arith.constant 0 : i32
    %dma_start3A_122 = arith.constant 0 : i32
    %dma_start3A_123 = tpu.memref_slice %arg7[%dma_start3A_120, %dma_start3A_121, %dma_start3A_122] : memref<8x56x64xf32, #tpu.memory_space<vmem>> -> memref<1x56x64xf32, #tpu.memory_space<vmem>>
    %dma_start3A_124 = tpu.memref_squeeze %dma_start3A_123 : memref<1x56x64xf32, #tpu.memory_space<vmem>> -> memref<56x64xf32, #tpu.memory_space<vmem>>
    %dma_start3A_125 = arith.constant 0 : i32
    %dma_start3A_126 = tpu.memref_slice %arg5[%dma_start3A_119, %dma_start3A_125] : memref<512x64xi32, #tpu.memory_space<vmem>> -> memref<1x56xi32, #tpu.memory_space<vmem>>
    %dma_start3A_127 = tpu.memref_squeeze %dma_start3A_126 : memref<1x56xi32, #tpu.memory_space<vmem>> -> memref<56xi32, #tpu.memory_space<vmem>>
    %dma_start3A_128 = arith.constant 0 : i32
    %dma_start3A_129 = arith.constant 0 : i32
    %dma_start3A_130 = tpu.memref_slice %arg2[%dma_start3A_128, %dma_start3A_129] : memref<1000000x64xf32, #tpu.memory_space<hbm>> -> memref<1000000x64xf32, #tpu.memory_space<hbm>>
    %dma_start3A_131 = arith.constant 1073741824 : i32
    tpu.enqueue_indirect_dma source(%dma_start3A_130 : memref<1000000x64xf32, #tpu.memory_space<hbm>>) target(%dma_start3A_124 : memref<56x64xf32, #tpu.memory_space<vmem>>) offsets(%dma_start3A_127 : memref<56xi32, #tpu.memory_space<vmem>>) offset_filter(%dma_start3A_131) semaphore(%arg9 : memref<!tpu.dma_semaphore, #tpu.memory_space<semaphore_mem>>)
    %dma_start3A_132 = arith.constant 10 : i32
    %dma_start3A_133 = arith.constant 2 : i32
    %dma_start3A_134 = arith.constant 0 : i32
    %dma_start3A_135 = arith.constant 0 : i32
    %dma_start3A_136 = tpu.memref_slice %arg7[%dma_start3A_133, %dma_start3A_134, %dma_start3A_135] : memref<8x56x64xf32, #tpu.memory_space<vmem>> -> memref<1x56x64xf32, #tpu.memory_space<vmem>>
    %dma_start3A_137 = tpu.memref_squeeze %dma_start3A_136 : memref<1x56x64xf32, #tpu.memory_space<vmem>> -> memref<56x64xf32, #tpu.memory_space<vmem>>
    %dma_start3A_138 = arith.constant 0 : i32
    %dma_start3A_139 = tpu.memref_slice %arg5[%dma_start3A_132, %dma_start3A_138] : memref<512x64xi32, #tpu.memory_space<vmem>> -> memref<1x56xi32, #tpu.memory_space<vmem>>
    %dma_start3A_140 = tpu.memref_squeeze %dma_start3A_139 : memref<1x56xi32, #tpu.memory_space<vmem>> -> memref<56xi32, #tpu.memory_space<vmem>>
    %dma_start3A_141 = arith.constant 0 : i32
    %dma_start3A_142 = arith.constant 0 : i32
    %dma_start3A_143 = tpu.memref_slice %arg2[%dma_start3A_141, %dma_start3A_142] : memref<1000000x64xf32, #tpu.memory_space<hbm>> -> memref<1000000x64xf32, #tpu.memory_space<hbm>>
    %dma_start3A_144 = arith.constant 1073741824 : i32
    tpu.enqueue_indirect_dma source(%dma_start3A_143 : memref<1000000x64xf32, #tpu.memory_space<hbm>>) target(%dma_start3A_137 : memref<56x64xf32, #tpu.memory_space<vmem>>) offsets(%dma_start3A_140 : memref<56xi32, #tpu.memory_space<vmem>>) offset_filter(%dma_start3A_144) semaphore(%arg9 : memref<!tpu.dma_semaphore, #tpu.memory_space<semaphore_mem>>)
    %dma_start3A_145 = arith.constant 11 : i32
    %dma_start3A_146 = arith.constant 3 : i32
    %dma_start3A_147 = arith.constant 0 : i32
    %dma_start3A_148 = arith.constant 0 : i32
    %dma_start3A_149 = tpu.memref_slice %arg7[%dma_start3A_146, %dma_start3A_147, %dma_start3A_148] : memref<8x56x64xf32, #tpu.memory_space<vmem>> -> memref<1x56x64xf32, #tpu.memory_space<vmem>>
    %dma_start3A_150 = tpu.memref_squeeze %dma_start3A_149 : memref<1x56x64xf32, #tpu.memory_space<vmem>> -> memref<56x64xf32, #tpu.memory_space<vmem>>
    %dma_start3A_151 = arith.constant 0 : i32
    %dma_start3A_152 = tpu.memref_slice %arg5[%dma_start3A_145, %dma_start3A_151] : memref<512x64xi32, #tpu.memory_space<vmem>> -> memref<1x56xi32, #tpu.memory_space<vmem>>
    %dma_start3A_153 = tpu.memref_squeeze %dma_start3A_152 : memref<1x56xi32, #tpu.memory_space<vmem>> -> memref<56xi32, #tpu.memory_space<vmem>>
    %dma_start3A_154 = arith.constant 0 : i32
    %dma_start3A_155 = arith.constant 0 : i32
    %dma_start3A_156 = tpu.memref_slice %arg2[%dma_start3A_154, %dma_start3A_155] : memref<1000000x64xf32, #tpu.memory_space<hbm>> -> memref<1000000x64xf32, #tpu.memory_space<hbm>>
    %dma_start3A_157 = arith.constant 1073741824 : i32
    tpu.enqueue_indirect_dma source(%dma_start3A_156 : memref<1000000x64xf32, #tpu.memory_space<hbm>>) target(%dma_start3A_150 : memref<56x64xf32, #tpu.memory_space<vmem>>) offsets(%dma_start3A_153 : memref<56xi32, #tpu.memory_space<vmem>>) offset_filter(%dma_start3A_157) semaphore(%arg9 : memref<!tpu.dma_semaphore, #tpu.memory_space<semaphore_mem>>)
    %dma_start3A_158 = arith.constant 12 : i32
    %dma_start3A_159 = arith.constant 4 : i32
    %dma_start3A_160 = arith.constant 0 : i32
    %dma_start3A_161 = arith.constant 0 : i32
    %dma_start3A_162 = tpu.memref_slice %arg7[%dma_start3A_159, %dma_start3A_160, %dma_start3A_161] : memref<8x56x64xf32, #tpu.memory_space<vmem>> -> memref<1x56x64xf32, #tpu.memory_space<vmem>>
    %dma_start3A_163 = tpu.memref_squeeze %dma_start3A_162 : memref<1x56x64xf32, #tpu.memory_space<vmem>> -> memref<56x64xf32, #tpu.memory_space<vmem>>
    %dma_start3A_164 = arith.constant 0 : i32
    %dma_start3A_165 = tpu.memref_slice %arg5[%dma_start3A_158, %dma_start3A_164] : memref<512x64xi32, #tpu.memory_space<vmem>> -> memref<1x56xi32, #tpu.memory_space<vmem>>
    %dma_start3A_166 = tpu.memref_squeeze %dma_start3A_165 : memref<1x56xi32, #tpu.memory_space<vmem>> -> memref<56xi32, #tpu.memory_space<vmem>>
    %dma_start3A_167 = arith.constant 0 : i32
    %dma_start3A_168 = arith.constant 0 : i32
    %dma_start3A_169 = tpu.memref_slice %arg2[%dma_start3A_167, %dma_start3A_168] : memref<1000000x64xf32, #tpu.memory_space<hbm>> -> memref<1000000x64xf32, #tpu.memory_space<hbm>>
    %dma_start3A_170 = arith.constant 1073741824 : i32
    tpu.enqueue_indirect_dma source(%dma_start3A_169 : memref<1000000x64xf32, #tpu.memory_space<hbm>>) target(%dma_start3A_163 : memref<56x64xf32, #tpu.memory_space<vmem>>) offsets(%dma_start3A_166 : memref<56xi32, #tpu.memory_space<vmem>>) offset_filter(%dma_start3A_170) semaphore(%arg9 : memref<!tpu.dma_semaphore, #tpu.memory_space<semaphore_mem>>)
    %dma_start3A_171 = arith.constant 13 : i32
    %dma_start3A_172 = arith.constant 5 : i32
    %dma_start3A_173 = arith.constant 0 : i32
    %dma_start3A_174 = arith.constant 0 : i32
    %dma_start3A_175 = tpu.memref_slice %arg7[%dma_start3A_172, %dma_start3A_173, %dma_start3A_174] : memref<8x56x64xf32, #tpu.memory_space<vmem>> -> memref<1x56x64xf32, #tpu.memory_space<vmem>>
    %dma_start3A_176 = tpu.memref_squeeze %dma_start3A_175 : memref<1x56x64xf32, #tpu.memory_space<vmem>> -> memref<56x64xf32, #tpu.memory_space<vmem>>
    %dma_start3A_177 = arith.constant 0 : i32
    %dma_start3A_178 = tpu.memref_slice %arg5[%dma_start3A_171, %dma_start3A_177] : memref<512x64xi32, #tpu.memory_space<vmem>> -> memref<1x56xi32, #tpu.memory_space<vmem>>
    %dma_start3A_179 = tpu.memref_squeeze %dma_start3A_178 : memref<1x56xi32, #tpu.memory_space<vmem>> -> memref<56xi32, #tpu.memory_space<vmem>>
    %dma_start3A_180 = arith.constant 0 : i32
    %dma_start3A_181 = arith.constant 0 : i32
    %dma_start3A_182 = tpu.memref_slice %arg2[%dma_start3A_180, %dma_start3A_181] : memref<1000000x64xf32, #tpu.memory_space<hbm>> -> memref<1000000x64xf32, #tpu.memory_space<hbm>>
    %dma_start3A_183 = arith.constant 1073741824 : i32
    tpu.enqueue_indirect_dma source(%dma_start3A_182 : memref<1000000x64xf32, #tpu.memory_space<hbm>>) target(%dma_start3A_176 : memref<56x64xf32, #tpu.memory_space<vmem>>) offsets(%dma_start3A_179 : memref<56xi32, #tpu.memory_space<vmem>>) offset_filter(%dma_start3A_183) semaphore(%arg9 : memref<!tpu.dma_semaphore, #tpu.memory_space<semaphore_mem>>)
    %dma_start3A_184 = arith.constant 14 : i32
    %dma_start3A_185 = arith.constant 6 : i32
    %dma_start3A_186 = arith.constant 0 : i32
    %dma_start3A_187 = arith.constant 0 : i32
    %dma_start3A_188 = tpu.memref_slice %arg7[%dma_start3A_185, %dma_start3A_186, %dma_start3A_187] : memref<8x56x64xf32, #tpu.memory_space<vmem>> -> memref<1x56x64xf32, #tpu.memory_space<vmem>>
    %dma_start3A_189 = tpu.memref_squeeze %dma_start3A_188 : memref<1x56x64xf32, #tpu.memory_space<vmem>> -> memref<56x64xf32, #tpu.memory_space<vmem>>
    %dma_start3A_190 = arith.constant 0 : i32
    %dma_start3A_191 = tpu.memref_slice %arg5[%dma_start3A_184, %dma_start3A_190] : memref<512x64xi32, #tpu.memory_space<vmem>> -> memref<1x56xi32, #tpu.memory_space<vmem>>
    %dma_start3A_192 = tpu.memref_squeeze %dma_start3A_191 : memref<1x56xi32, #tpu.memory_space<vmem>> -> memref<56xi32, #tpu.memory_space<vmem>>
    %dma_start3A_193 = arith.constant 0 : i32
    %dma_start3A_194 = arith.constant 0 : i32
    %dma_start3A_195 = tpu.memref_slice %arg2[%dma_start3A_193, %dma_start3A_194] : memref<1000000x64xf32, #tpu.memory_space<hbm>> -> memref<1000000x64xf32, #tpu.memory_space<hbm>>
    %dma_start3A_196 = arith.constant 1073741824 : i32
    tpu.enqueue_indirect_dma source(%dma_start3A_195 : memref<1000000x64xf32, #tpu.memory_space<hbm>>) target(%dma_start3A_189 : memref<56x64xf32, #tpu.memory_space<vmem>>) offsets(%dma_start3A_192 : memref<56xi32, #tpu.memory_space<vmem>>) offset_filter(%dma_start3A_196) semaphore(%arg9 : memref<!tpu.dma_semaphore, #tpu.memory_space<semaphore_mem>>)
    %dma_start3A_197 = arith.constant 15 : i32
    %dma_start3A_198 = arith.constant 7 : i32
    %dma_start3A_199 = arith.constant 0 : i32
    %dma_start3A_200 = arith.constant 0 : i32
    %dma_start3A_201 = tpu.memref_slice %arg7[%dma_start3A_198, %dma_start3A_199, %dma_start3A_200] : memref<8x56x64xf32, #tpu.memory_space<vmem>> -> memref<1x56x64xf32, #tpu.memory_space<vmem>>
    %dma_start3A_202 = tpu.memref_squeeze %dma_start3A_201 : memref<1x56x64xf32, #tpu.memory_space<vmem>> -> memref<56x64xf32, #tpu.memory_space<vmem>>
    %dma_start3A_203 = arith.constant 0 : i32
    %dma_start3A_204 = tpu.memref_slice %arg5[%dma_start3A_197, %dma_start3A_203] : memref<512x64xi32, #tpu.memory_space<vmem>> -> memref<1x56xi32, #tpu.memory_space<vmem>>
    %dma_start3A_205 = tpu.memref_squeeze %dma_start3A_204 : memref<1x56xi32, #tpu.memory_space<vmem>> -> memref<56xi32, #tpu.memory_space<vmem>>
    %dma_start3A_206 = arith.constant 0 : i32
    %dma_start3A_207 = arith.constant 0 : i32
    %dma_start3A_208 = tpu.memref_slice %arg2[%dma_start3A_206, %dma_start3A_207] : memref<1000000x64xf32, #tpu.memory_space<hbm>> -> memref<1000000x64xf32, #tpu.memory_space<hbm>>
    %dma_start3A_209 = arith.constant 1073741824 : i32
    tpu.enqueue_indirect_dma source(%dma_start3A_208 : memref<1000000x64xf32, #tpu.memory_space<hbm>>) target(%dma_start3A_202 : memref<56x64xf32, #tpu.memory_space<vmem>>) offsets(%dma_start3A_205 : memref<56xi32, #tpu.memory_space<vmem>>) offset_filter(%dma_start3A_209) semaphore(%arg9 : memref<!tpu.dma_semaphore, #tpu.memory_space<semaphore_mem>>)
    %scan3A = arith.constant 0 : i32
    %scan3A_210 = arith.constant 31 : i32
    %scan3A_211 = arith.addi %scan3A, %scan3A_210 : i32
    %scan3A_212 = arith.constant 1 : i32
    scf.for %scan3A_465 = %scan3A to %scan3A_211 step %scan3A_212  : i32 {
      %mul3A_466 = arith.constant 1 : i32
      %mul3A_467 = arith.muli %scan3A_465, %mul3A_466 : i32
      %add3A_468 = arith.constant 0 : i32
      %add3A_469 = arith.addi %add3A_468, %mul3A_467 : i32
      %mul3A_470 = arith.constant 2 : i32
      %mul3A_471 = arith.muli %add3A_469, %mul3A_470 : i32
      %dma_wait3A_472 = arith.constant 0 : i32
      %dma_wait3A_473 = arith.constant 0 : i32
      %dma_wait3A_474 = arith.constant 0 : i32
      %dma_wait3A_475 = arith.constant 0 : i32
      %dma_wait3A_476 = tpu.memref_slice %arg6[%dma_wait3A_473, %dma_wait3A_474, %dma_wait3A_475] : memref<8x56x64xf32, #tpu.memory_space<vmem>> -> memref<1x56x64xf32, #tpu.memory_space<vmem>>
      %dma_wait3A_477 = tpu.memref_squeeze %dma_wait3A_476 : memref<1x56x64xf32, #tpu.memory_space<vmem>> -> memref<56x64xf32, #tpu.memory_space<vmem>>
      %dma_wait3A_478 = arith.constant 0 : i32
      %dma_wait3A_479 = tpu.memref_slice %arg5[%dma_wait3A_472, %dma_wait3A_478] : memref<512x64xi32, #tpu.memory_space<vmem>> -> memref<1x56xi32, #tpu.memory_space<vmem>>
      %dma_wait3A_480 = tpu.memref_squeeze %dma_wait3A_479 : memref<1x56xi32, #tpu.memory_space<vmem>> -> memref<56xi32, #tpu.memory_space<vmem>>
      %dma_wait3A_481 = arith.constant 0 : i32
      %dma_wait3A_482 = arith.constant 0 : i32
      %dma_wait3A_483 = tpu.memref_slice %arg2[%dma_wait3A_481, %dma_wait3A_482] : memref<1000000x64xf32, #tpu.memory_space<hbm>> -> memref<1000000x64xf32, #tpu.memory_space<hbm>>
      tpu.wait_indirect_dma semaphore(%arg8 : memref<!tpu.dma_semaphore, #tpu.memory_space<semaphore_mem>>) src(%dma_wait3A_483 : memref<1000000x64xf32, #tpu.memory_space<hbm>>) dst(%dma_wait3A_477 : memref<56x64xf32, #tpu.memory_space<vmem>>)
      %dma_wait3A_484 = arith.constant 0 : i32
      %dma_wait3A_485 = arith.constant 1 : i32
      %dma_wait3A_486 = arith.constant 0 : i32
      %dma_wait3A_487 = arith.constant 0 : i32
      %dma_wait3A_488 = tpu.memref_slice %arg6[%dma_wait3A_485, %dma_wait3A_486, %dma_wait3A_487] : memref<8x56x64xf32, #tpu.memory_space<vmem>> -> memref<1x56x64xf32, #tpu.memory_space<vmem>>
      %dma_wait3A_489 = tpu.memref_squeeze %dma_wait3A_488 : memref<1x56x64xf32, #tpu.memory_space<vmem>> -> memref<56x64xf32, #tpu.memory_space<vmem>>
      %dma_wait3A_490 = arith.constant 0 : i32
      %dma_wait3A_491 = tpu.memref_slice %arg5[%dma_wait3A_484, %dma_wait3A_490] : memref<512x64xi32, #tpu.memory_space<vmem>> -> memref<1x56xi32, #tpu.memory_space<vmem>>
      %dma_wait3A_492 = tpu.memref_squeeze %dma_wait3A_491 : memref<1x56xi32, #tpu.memory_space<vmem>> -> memref<56xi32, #tpu.memory_space<vmem>>
      %dma_wait3A_493 = arith.constant 0 : i32
      %dma_wait3A_494 = arith.constant 0 : i32
      %dma_wait3A_495 = tpu.memref_slice %arg2[%dma_wait3A_493, %dma_wait3A_494] : memref<1000000x64xf32, #tpu.memory_space<hbm>> -> memref<1000000x64xf32, #tpu.memory_space<hbm>>
      tpu.wait_indirect_dma semaphore(%arg8 : memref<!tpu.dma_semaphore, #tpu.memory_space<semaphore_mem>>) src(%dma_wait3A_495 : memref<1000000x64xf32, #tpu.memory_space<hbm>>) dst(%dma_wait3A_489 : memref<56x64xf32, #tpu.memory_space<vmem>>)
      %dma_wait3A_496 = arith.constant 0 : i32
      %dma_wait3A_497 = arith.constant 2 : i32
      %dma_wait3A_498 = arith.constant 0 : i32
      %dma_wait3A_499 = arith.constant 0 : i32
      %dma_wait3A_500 = tpu.memref_slice %arg6[%dma_wait3A_497, %dma_wait3A_498, %dma_wait3A_499] : memref<8x56x64xf32, #tpu.memory_space<vmem>> -> memref<1x56x64xf32, #tpu.memory_space<vmem>>
      %dma_wait3A_501 = tpu.memref_squeeze %dma_wait3A_500 : memref<1x56x64xf32, #tpu.memory_space<vmem>> -> memref<56x64xf32, #tpu.memory_space<vmem>>
      %dma_wait3A_502 = arith.constant 0 : i32
      %dma_wait3A_503 = tpu.memref_slice %arg5[%dma_wait3A_496, %dma_wait3A_502] : memref<512x64xi32, #tpu.memory_space<vmem>> -> memref<1x56xi32, #tpu.memory_space<vmem>>
      %dma_wait3A_504 = tpu.memref_squeeze %dma_wait3A_503 : memref<1x56xi32, #tpu.memory_space<vmem>> -> memref<56xi32, #tpu.memory_space<vmem>>
      %dma_wait3A_505 = arith.constant 0 : i32
      %dma_wait3A_506 = arith.constant 0 : i32
      %dma_wait3A_507 = tpu.memref_slice %arg2[%dma_wait3A_505, %dma_wait3A_506] : memref<1000000x64xf32, #tpu.memory_space<hbm>> -> memref<1000000x64xf32, #tpu.memory_space<hbm>>
      tpu.wait_indirect_dma semaphore(%arg8 : memref<!tpu.dma_semaphore, #tpu.memory_space<semaphore_mem>>) src(%dma_wait3A_507 : memref<1000000x64xf32, #tpu.memory_space<hbm>>) dst(%dma_wait3A_501 : memref<56x64xf32, #tpu.memory_space<vmem>>)
      %dma_wait3A_508 = arith.constant 0 : i32
      %dma_wait3A_509 = arith.constant 3 : i32
      %dma_wait3A_510 = arith.constant 0 : i32
      %dma_wait3A_511 = arith.constant 0 : i32
      %dma_wait3A_512 = tpu.memref_slice %arg6[%dma_wait3A_509, %dma_wait3A_510, %dma_wait3A_511] : memref<8x56x64xf32, #tpu.memory_space<vmem>> -> memref<1x56x64xf32, #tpu.memory_space<vmem>>
      %dma_wait3A_513 = tpu.memref_squeeze %dma_wait3A_512 : memref<1x56x64xf32, #tpu.memory_space<vmem>> -> memref<56x64xf32, #tpu.memory_space<vmem>>
      %dma_wait3A_514 = arith.constant 0 : i32
      %dma_wait3A_515 = tpu.memref_slice %arg5[%dma_wait3A_508, %dma_wait3A_514] : memref<512x64xi32, #tpu.memory_space<vmem>> -> memref<1x56xi32, #tpu.memory_space<vmem>>
      %dma_wait3A_516 = tpu.memref_squeeze %dma_wait3A_515 : memref<1x56xi32, #tpu.memory_space<vmem>> -> memref<56xi32, #tpu.memory_space<vmem>>
      %dma_wait3A_517 = arith.constant 0 : i32
      %dma_wait3A_518 = arith.constant 0 : i32
      %dma_wait3A_519 = tpu.memref_slice %arg2[%dma_wait3A_517, %dma_wait3A_518] : memref<1000000x64xf32, #tpu.memory_space<hbm>> -> memref<1000000x64xf32, #tpu.memory_space<hbm>>
      tpu.wait_indirect_dma semaphore(%arg8 : memref<!tpu.dma_semaphore, #tpu.memory_space<semaphore_mem>>) src(%dma_wait3A_519 : memref<1000000x64xf32, #tpu.memory_space<hbm>>) dst(%dma_wait3A_513 : memref<56x64xf32, #tpu.memory_space<vmem>>)
      %dma_wait3A_520 = arith.constant 0 : i32
      %dma_wait3A_521 = arith.constant 4 : i32
      %dma_wait3A_522 = arith.constant 0 : i32
      %dma_wait3A_523 = arith.constant 0 : i32
      %dma_wait3A_524 = tpu.memref_slice %arg6[%dma_wait3A_521, %dma_wait3A_522, %dma_wait3A_523] : memref<8x56x64xf32, #tpu.memory_space<vmem>> -> memref<1x56x64xf32, #tpu.memory_space<vmem>>
      %dma_wait3A_525 = tpu.memref_squeeze %dma_wait3A_524 : memref<1x56x64xf32, #tpu.memory_space<vmem>> -> memref<56x64xf32, #tpu.memory_space<vmem>>
      %dma_wait3A_526 = arith.constant 0 : i32
      %dma_wait3A_527 = tpu.memref_slice %arg5[%dma_wait3A_520, %dma_wait3A_526] : memref<512x64xi32, #tpu.memory_space<vmem>> -> memref<1x56xi32, #tpu.memory_space<vmem>>
      %dma_wait3A_528 = tpu.memref_squeeze %dma_wait3A_527 : memref<1x56xi32, #tpu.memory_space<vmem>> -> memref<56xi32, #tpu.memory_space<vmem>>
      %dma_wait3A_529 = arith.constant 0 : i32
      %dma_wait3A_530 = arith.constant 0 : i32
      %dma_wait3A_531 = tpu.memref_slice %arg2[%dma_wait3A_529, %dma_wait3A_530] : memref<1000000x64xf32, #tpu.memory_space<hbm>> -> memref<1000000x64xf32, #tpu.memory_space<hbm>>
      tpu.wait_indirect_dma semaphore(%arg8 : memref<!tpu.dma_semaphore, #tpu.memory_space<semaphore_mem>>) src(%dma_wait3A_531 : memref<1000000x64xf32, #tpu.memory_space<hbm>>) dst(%dma_wait3A_525 : memref<56x64xf32, #tpu.memory_space<vmem>>)
      %dma_wait3A_532 = arith.constant 0 : i32
      %dma_wait3A_533 = arith.constant 5 : i32
      %dma_wait3A_534 = arith.constant 0 : i32
      %dma_wait3A_535 = arith.constant 0 : i32
      %dma_wait3A_536 = tpu.memref_slice %arg6[%dma_wait3A_533, %dma_wait3A_534, %dma_wait3A_535] : memref<8x56x64xf32, #tpu.memory_space<vmem>> -> memref<1x56x64xf32, #tpu.memory_space<vmem>>
      %dma_wait3A_537 = tpu.memref_squeeze %dma_wait3A_536 : memref<1x56x64xf32, #tpu.memory_space<vmem>> -> memref<56x64xf32, #tpu.memory_space<vmem>>
      %dma_wait3A_538 = arith.constant 0 : i32
      %dma_wait3A_539 = tpu.memref_slice %arg5[%dma_wait3A_532, %dma_wait3A_538] : memref<512x64xi32, #tpu.memory_space<vmem>> -> memref<1x56xi32, #tpu.memory_space<vmem>>
      %dma_wait3A_540 = tpu.memref_squeeze %dma_wait3A_539 : memref<1x56xi32, #tpu.memory_space<vmem>> -> memref<56xi32, #tpu.memory_space<vmem>>
      %dma_wait3A_541 = arith.constant 0 : i32
      %dma_wait3A_542 = arith.constant 0 : i32
      %dma_wait3A_543 = tpu.memref_slice %arg2[%dma_wait3A_541, %dma_wait3A_542] : memref<1000000x64xf32, #tpu.memory_space<hbm>> -> memref<1000000x64xf32, #tpu.memory_space<hbm>>
      tpu.wait_indirect_dma semaphore(%arg8 : memref<!tpu.dma_semaphore, #tpu.memory_space<semaphore_mem>>) src(%dma_wait3A_543 : memref<1000000x64xf32, #tpu.memory_space<hbm>>) dst(%dma_wait3A_537 : memref<56x64xf32, #tpu.memory_space<vmem>>)
      %dma_wait3A_544 = arith.constant 0 : i32
      %dma_wait3A_545 = arith.constant 6 : i32
      %dma_wait3A_546 = arith.constant 0 : i32
      %dma_wait3A_547 = arith.constant 0 : i32
      %dma_wait3A_548 = tpu.memref_slice %arg6[%dma_wait3A_545, %dma_wait3A_546, %dma_wait3A_547] : memref<8x56x64xf32, #tpu.memory_space<vmem>> -> memref<1x56x64xf32, #tpu.memory_space<vmem>>
      %dma_wait3A_549 = tpu.memref_squeeze %dma_wait3A_548 : memref<1x56x64xf32, #tpu.memory_space<vmem>> -> memref<56x64xf32, #tpu.memory_space<vmem>>
      %dma_wait3A_550 = arith.constant 0 : i32
      %dma_wait3A_551 = tpu.memref_slice %arg5[%dma_wait3A_544, %dma_wait3A_550] : memref<512x64xi32, #tpu.memory_space<vmem>> -> memref<1x56xi32, #tpu.memory_space<vmem>>
      %dma_wait3A_552 = tpu.memref_squeeze %dma_wait3A_551 : memref<1x56xi32, #tpu.memory_space<vmem>> -> memref<56xi32, #tpu.memory_space<vmem>>
      %dma_wait3A_553 = arith.constant 0 : i32
      %dma_wait3A_554 = arith.constant 0 : i32
      %dma_wait3A_555 = tpu.memref_slice %arg2[%dma_wait3A_553, %dma_wait3A_554] : memref<1000000x64xf32, #tpu.memory_space<hbm>> -> memref<1000000x64xf32, #tpu.memory_space<hbm>>
      tpu.wait_indirect_dma semaphore(%arg8 : memref<!tpu.dma_semaphore, #tpu.memory_space<semaphore_mem>>) src(%dma_wait3A_555 : memref<1000000x64xf32, #tpu.memory_space<hbm>>) dst(%dma_wait3A_549 : memref<56x64xf32, #tpu.memory_space<vmem>>)
      %dma_wait3A_556 = arith.constant 0 : i32
      %dma_wait3A_557 = arith.constant 7 : i32
      %dma_wait3A_558 = arith.constant 0 : i32
      %dma_wait3A_559 = arith.constant 0 : i32
      %dma_wait3A_560 = tpu.memref_slice %arg6[%dma_wait3A_557, %dma_wait3A_558, %dma_wait3A_559] : memref<8x56x64xf32, #tpu.memory_space<vmem>> -> memref<1x56x64xf32, #tpu.memory_space<vmem>>
      %dma_wait3A_561 = tpu.memref_squeeze %dma_wait3A_560 : memref<1x56x64xf32, #tpu.memory_space<vmem>> -> memref<56x64xf32, #tpu.memory_space<vmem>>
      %dma_wait3A_562 = arith.constant 0 : i32
      %dma_wait3A_563 = tpu.memref_slice %arg5[%dma_wait3A_556, %dma_wait3A_562] : memref<512x64xi32, #tpu.memory_space<vmem>> -> memref<1x56xi32, #tpu.memory_space<vmem>>
      %dma_wait3A_564 = tpu.memref_squeeze %dma_wait3A_563 : memref<1x56xi32, #tpu.memory_space<vmem>> -> memref<56xi32, #tpu.memory_space<vmem>>
      %dma_wait3A_565 = arith.constant 0 : i32
      %dma_wait3A_566 = arith.constant 0 : i32
      %dma_wait3A_567 = tpu.memref_slice %arg2[%dma_wait3A_565, %dma_wait3A_566] : memref<1000000x64xf32, #tpu.memory_space<hbm>> -> memref<1000000x64xf32, #tpu.memory_space<hbm>>
      tpu.wait_indirect_dma semaphore(%arg8 : memref<!tpu.dma_semaphore, #tpu.memory_space<semaphore_mem>>) src(%dma_wait3A_567 : memref<1000000x64xf32, #tpu.memory_space<hbm>>) dst(%dma_wait3A_561 : memref<56x64xf32, #tpu.memory_space<vmem>>)
      %mul3A_568 = arith.constant 8 : i32
      %mul3A_569 = arith.muli %mul3A_471, %mul3A_568 : i32
      %add3A_570 = arith.addi %mul3A_2, %mul3A_569 : i32
      %dma_start3A_571 = arith.constant 0 : i32
      %dma_start3A_572 = arith.constant 0 : i32
      %dma_start3A_573 = arith.constant 0 : i32
      %dma_start3A_574 = tpu.memref_slice %arg6[%dma_start3A_571, %dma_start3A_572, %dma_start3A_573] : memref<8x56x64xf32, #tpu.memory_space<vmem>> -> memref<8x50x64xf32, #tpu.memory_space<vmem>>
      %dma_start3A_575 = arith.constant 0 : i32
      %dma_start3A_576 = arith.constant 0 : i32
      %dma_start3A_577 = tpu.memref_slice %arg4[%add3A_570, %dma_start3A_575, %dma_start3A_576] : memref<16384x50x64xf32, #tpu.memory_space<hbm>> -> memref<8x50x64xf32, #tpu.memory_space<hbm>>
      %dma_start3A_578 = arith.constant 0 : i32
      %dma_start3A_579 = arith.constant 0 : i32
      %dma_start3A_580 = tpu.memref_slice %arg4[%add3A_570, %dma_start3A_578, %dma_start3A_579] : memref<16384x50x64xf32, #tpu.memory_space<hbm>> -> memref<8x50x64xf32, #tpu.memory_space<hbm>>
      %dma_start3A_581 = arith.constant 0 : i32
      %dma_start3A_582 = arith.constant 0 : i32
      %dma_start3A_583 = arith.constant 0 : i32
      %dma_start3A_584 = tpu.memref_slice %arg6[%dma_start3A_581, %dma_start3A_582, %dma_start3A_583] : memref<8x56x64xf32, #tpu.memory_space<vmem>> -> memref<8x50x64xf32, #tpu.memory_space<vmem>>
      tpu.enqueue_dma source(%dma_start3A_584 : memref<8x50x64xf32, #tpu.memory_space<vmem>>) target(%dma_start3A_580 : memref<8x50x64xf32, #tpu.memory_space<hbm>>) target_semaphore(%arg10 : memref<!tpu.dma_semaphore, #tpu.memory_space<semaphore_mem>>)
      %dma_wait3A_585 = arith.constant 0 : i32
      %dma_wait3A_586 = arith.constant 0 : i32
      %dma_wait3A_587 = arith.constant 0 : i32
      %dma_wait3A_588 = arith.constant 0 : i32
      %dma_wait3A_589 = tpu.memref_slice %arg7[%dma_wait3A_586, %dma_wait3A_587, %dma_wait3A_588] : memref<8x56x64xf32, #tpu.memory_space<vmem>> -> memref<1x56x64xf32, #tpu.memory_space<vmem>>
      %dma_wait3A_590 = tpu.memref_squeeze %dma_wait3A_589 : memref<1x56x64xf32, #tpu.memory_space<vmem>> -> memref<56x64xf32, #tpu.memory_space<vmem>>
      %dma_wait3A_591 = arith.constant 0 : i32
      %dma_wait3A_592 = tpu.memref_slice %arg5[%dma_wait3A_585, %dma_wait3A_591] : memref<512x64xi32, #tpu.memory_space<vmem>> -> memref<1x56xi32, #tpu.memory_space<vmem>>
      %dma_wait3A_593 = tpu.memref_squeeze %dma_wait3A_592 : memref<1x56xi32, #tpu.memory_space<vmem>> -> memref<56xi32, #tpu.memory_space<vmem>>
      %dma_wait3A_594 = arith.constant 0 : i32
      %dma_wait3A_595 = arith.constant 0 : i32
      %dma_wait3A_596 = tpu.memref_slice %arg2[%dma_wait3A_594, %dma_wait3A_595] : memref<1000000x64xf32, #tpu.memory_space<hbm>> -> memref<1000000x64xf32, #tpu.memory_space<hbm>>
      tpu.wait_indirect_dma semaphore(%arg9 : memref<!tpu.dma_semaphore, #tpu.memory_space<semaphore_mem>>) src(%dma_wait3A_596 : memref<1000000x64xf32, #tpu.memory_space<hbm>>) dst(%dma_wait3A_590 : memref<56x64xf32, #tpu.memory_space<vmem>>)
      %dma_wait3A_597 = arith.constant 0 : i32
      %dma_wait3A_598 = arith.constant 1 : i32
      %dma_wait3A_599 = arith.constant 0 : i32
      %dma_wait3A_600 = arith.constant 0 : i32
      %dma_wait3A_601 = tpu.memref_slice %arg7[%dma_wait3A_598, %dma_wait3A_599, %dma_wait3A_600] : memref<8x56x64xf32, #tpu.memory_space<vmem>> -> memref<1x56x64xf32, #tpu.memory_space<vmem>>
      %dma_wait3A_602 = tpu.memref_squeeze %dma_wait3A_601 : memref<1x56x64xf32, #tpu.memory_space<vmem>> -> memref<56x64xf32, #tpu.memory_space<vmem>>
      %dma_wait3A_603 = arith.constant 0 : i32
      %dma_wait3A_604 = tpu.memref_slice %arg5[%dma_wait3A_597, %dma_wait3A_603] : memref<512x64xi32, #tpu.memory_space<vmem>> -> memref<1x56xi32, #tpu.memory_space<vmem>>
      %dma_wait3A_605 = tpu.memref_squeeze %dma_wait3A_604 : memref<1x56xi32, #tpu.memory_space<vmem>> -> memref<56xi32, #tpu.memory_space<vmem>>
      %dma_wait3A_606 = arith.constant 0 : i32
      %dma_wait3A_607 = arith.constant 0 : i32
      %dma_wait3A_608 = tpu.memref_slice %arg2[%dma_wait3A_606, %dma_wait3A_607] : memref<1000000x64xf32, #tpu.memory_space<hbm>> -> memref<1000000x64xf32, #tpu.memory_space<hbm>>
      tpu.wait_indirect_dma semaphore(%arg9 : memref<!tpu.dma_semaphore, #tpu.memory_space<semaphore_mem>>) src(%dma_wait3A_608 : memref<1000000x64xf32, #tpu.memory_space<hbm>>) dst(%dma_wait3A_602 : memref<56x64xf32, #tpu.memory_space<vmem>>)
      %dma_wait3A_609 = arith.constant 0 : i32
      %dma_wait3A_610 = arith.constant 2 : i32
      %dma_wait3A_611 = arith.constant 0 : i32
      %dma_wait3A_612 = arith.constant 0 : i32
      %dma_wait3A_613 = tpu.memref_slice %arg7[%dma_wait3A_610, %dma_wait3A_611, %dma_wait3A_612] : memref<8x56x64xf32, #tpu.memory_space<vmem>> -> memref<1x56x64xf32, #tpu.memory_space<vmem>>
      %dma_wait3A_614 = tpu.memref_squeeze %dma_wait3A_613 : memref<1x56x64xf32, #tpu.memory_space<vmem>> -> memref<56x64xf32, #tpu.memory_space<vmem>>
      %dma_wait3A_615 = arith.constant 0 : i32
      %dma_wait3A_616 = tpu.memref_slice %arg5[%dma_wait3A_609, %dma_wait3A_615] : memref<512x64xi32, #tpu.memory_space<vmem>> -> memref<1x56xi32, #tpu.memory_space<vmem>>
      %dma_wait3A_617 = tpu.memref_squeeze %dma_wait3A_616 : memref<1x56xi32, #tpu.memory_space<vmem>> -> memref<56xi32, #tpu.memory_space<vmem>>
      %dma_wait3A_618 = arith.constant 0 : i32
      %dma_wait3A_619 = arith.constant 0 : i32
      %dma_wait3A_620 = tpu.memref_slice %arg2[%dma_wait3A_618, %dma_wait3A_619] : memref<1000000x64xf32, #tpu.memory_space<hbm>> -> memref<1000000x64xf32, #tpu.memory_space<hbm>>
      tpu.wait_indirect_dma semaphore(%arg9 : memref<!tpu.dma_semaphore, #tpu.memory_space<semaphore_mem>>) src(%dma_wait3A_620 : memref<1000000x64xf32, #tpu.memory_space<hbm>>) dst(%dma_wait3A_614 : memref<56x64xf32, #tpu.memory_space<vmem>>)
      %dma_wait3A_621 = arith.constant 0 : i32
      %dma_wait3A_622 = arith.constant 3 : i32
      %dma_wait3A_623 = arith.constant 0 : i32
      %dma_wait3A_624 = arith.constant 0 : i32
      %dma_wait3A_625 = tpu.memref_slice %arg7[%dma_wait3A_622, %dma_wait3A_623, %dma_wait3A_624] : memref<8x56x64xf32, #tpu.memory_space<vmem>> -> memref<1x56x64xf32, #tpu.memory_space<vmem>>
      %dma_wait3A_626 = tpu.memref_squeeze %dma_wait3A_625 : memref<1x56x64xf32, #tpu.memory_space<vmem>> -> memref<56x64xf32, #tpu.memory_space<vmem>>
      %dma_wait3A_627 = arith.constant 0 : i32
      %dma_wait3A_628 = tpu.memref_slice %arg5[%dma_wait3A_621, %dma_wait3A_627] : memref<512x64xi32, #tpu.memory_space<vmem>> -> memref<1x56xi32, #tpu.memory_space<vmem>>
      %dma_wait3A_629 = tpu.memref_squeeze %dma_wait3A_628 : memref<1x56xi32, #tpu.memory_space<vmem>> -> memref<56xi32, #tpu.memory_space<vmem>>
      %dma_wait3A_630 = arith.constant 0 : i32
      %dma_wait3A_631 = arith.constant 0 : i32
      %dma_wait3A_632 = tpu.memref_slice %arg2[%dma_wait3A_630, %dma_wait3A_631] : memref<1000000x64xf32, #tpu.memory_space<hbm>> -> memref<1000000x64xf32, #tpu.memory_space<hbm>>
      tpu.wait_indirect_dma semaphore(%arg9 : memref<!tpu.dma_semaphore, #tpu.memory_space<semaphore_mem>>) src(%dma_wait3A_632 : memref<1000000x64xf32, #tpu.memory_space<hbm>>) dst(%dma_wait3A_626 : memref<56x64xf32, #tpu.memory_space<vmem>>)
      %dma_wait3A_633 = arith.constant 0 : i32
      %dma_wait3A_634 = arith.constant 4 : i32
      %dma_wait3A_635 = arith.constant 0 : i32
      %dma_wait3A_636 = arith.constant 0 : i32
      %dma_wait3A_637 = tpu.memref_slice %arg7[%dma_wait3A_634, %dma_wait3A_635, %dma_wait3A_636] : memref<8x56x64xf32, #tpu.memory_space<vmem>> -> memref<1x56x64xf32, #tpu.memory_space<vmem>>
      %dma_wait3A_638 = tpu.memref_squeeze %dma_wait3A_637 : memref<1x56x64xf32, #tpu.memory_space<vmem>> -> memref<56x64xf32, #tpu.memory_space<vmem>>
      %dma_wait3A_639 = arith.constant 0 : i32
      %dma_wait3A_640 = tpu.memref_slice %arg5[%dma_wait3A_633, %dma_wait3A_639] : memref<512x64xi32, #tpu.memory_space<vmem>> -> memref<1x56xi32, #tpu.memory_space<vmem>>
      %dma_wait3A_641 = tpu.memref_squeeze %dma_wait3A_640 : memref<1x56xi32, #tpu.memory_space<vmem>> -> memref<56xi32, #tpu.memory_space<vmem>>
      %dma_wait3A_642 = arith.constant 0 : i32
      %dma_wait3A_643 = arith.constant 0 : i32
      %dma_wait3A_644 = tpu.memref_slice %arg2[%dma_wait3A_642, %dma_wait3A_643] : memref<1000000x64xf32, #tpu.memory_space<hbm>> -> memref<1000000x64xf32, #tpu.memory_space<hbm>>
      tpu.wait_indirect_dma semaphore(%arg9 : memref<!tpu.dma_semaphore, #tpu.memory_space<semaphore_mem>>) src(%dma_wait3A_644 : memref<1000000x64xf32, #tpu.memory_space<hbm>>) dst(%dma_wait3A_638 : memref<56x64xf32, #tpu.memory_space<vmem>>)
      %dma_wait3A_645 = arith.constant 0 : i32
      %dma_wait3A_646 = arith.constant 5 : i32
      %dma_wait3A_647 = arith.constant 0 : i32
      %dma_wait3A_648 = arith.constant 0 : i32
      %dma_wait3A_649 = tpu.memref_slice %arg7[%dma_wait3A_646, %dma_wait3A_647, %dma_wait3A_648] : memref<8x56x64xf32, #tpu.memory_space<vmem>> -> memref<1x56x64xf32, #tpu.memory_space<vmem>>
      %dma_wait3A_650 = tpu.memref_squeeze %dma_wait3A_649 : memref<1x56x64xf32, #tpu.memory_space<vmem>> -> memref<56x64xf32, #tpu.memory_space<vmem>>
      %dma_wait3A_651 = arith.constant 0 : i32
      %dma_wait3A_652 = tpu.memref_slice %arg5[%dma_wait3A_645, %dma_wait3A_651] : memref<512x64xi32, #tpu.memory_space<vmem>> -> memref<1x56xi32, #tpu.memory_space<vmem>>
      %dma_wait3A_653 = tpu.memref_squeeze %dma_wait3A_652 : memref<1x56xi32, #tpu.memory_space<vmem>> -> memref<56xi32, #tpu.memory_space<vmem>>
      %dma_wait3A_654 = arith.constant 0 : i32
      %dma_wait3A_655 = arith.constant 0 : i32
      %dma_wait3A_656 = tpu.memref_slice %arg2[%dma_wait3A_654, %dma_wait3A_655] : memref<1000000x64xf32, #tpu.memory_space<hbm>> -> memref<1000000x64xf32, #tpu.memory_space<hbm>>
      tpu.wait_indirect_dma semaphore(%arg9 : memref<!tpu.dma_semaphore, #tpu.memory_space<semaphore_mem>>) src(%dma_wait3A_656 : memref<1000000x64xf32, #tpu.memory_space<hbm>>) dst(%dma_wait3A_650 : memref<56x64xf32, #tpu.memory_space<vmem>>)
      %dma_wait3A_657 = arith.constant 0 : i32
      %dma_wait3A_658 = arith.constant 6 : i32
      %dma_wait3A_659 = arith.constant 0 : i32
      %dma_wait3A_660 = arith.constant 0 : i32
      %dma_wait3A_661 = tpu.memref_slice %arg7[%dma_wait3A_658, %dma_wait3A_659, %dma_wait3A_660] : memref<8x56x64xf32, #tpu.memory_space<vmem>> -> memref<1x56x64xf32, #tpu.memory_space<vmem>>
      %dma_wait3A_662 = tpu.memref_squeeze %dma_wait3A_661 : memref<1x56x64xf32, #tpu.memory_space<vmem>> -> memref<56x64xf32, #tpu.memory_space<vmem>>
      %dma_wait3A_663 = arith.constant 0 : i32
      %dma_wait3A_664 = tpu.memref_slice %arg5[%dma_wait3A_657, %dma_wait3A_663] : memref<512x64xi32, #tpu.memory_space<vmem>> -> memref<1x56xi32, #tpu.memory_space<vmem>>
      %dma_wait3A_665 = tpu.memref_squeeze %dma_wait3A_664 : memref<1x56xi32, #tpu.memory_space<vmem>> -> memref<56xi32, #tpu.memory_space<vmem>>
      %dma_wait3A_666 = arith.constant 0 : i32
      %dma_wait3A_667 = arith.constant 0 : i32
      %dma_wait3A_668 = tpu.memref_slice %arg2[%dma_wait3A_666, %dma_wait3A_667] : memref<1000000x64xf32, #tpu.memory_space<hbm>> -> memref<1000000x64xf32, #tpu.memory_space<hbm>>
      tpu.wait_indirect_dma semaphore(%arg9 : memref<!tpu.dma_semaphore, #tpu.memory_space<semaphore_mem>>) src(%dma_wait3A_668 : memref<1000000x64xf32, #tpu.memory_space<hbm>>) dst(%dma_wait3A_662 : memref<56x64xf32, #tpu.memory_space<vmem>>)
      %dma_wait3A_669 = arith.constant 0 : i32
      %dma_wait3A_670 = arith.constant 7 : i32
      %dma_wait3A_671 = arith.constant 0 : i32
      %dma_wait3A_672 = arith.constant 0 : i32
      %dma_wait3A_673 = tpu.memref_slice %arg7[%dma_wait3A_670, %dma_wait3A_671, %dma_wait3A_672] : memref<8x56x64xf32, #tpu.memory_space<vmem>> -> memref<1x56x64xf32, #tpu.memory_space<vmem>>
      %dma_wait3A_674 = tpu.memref_squeeze %dma_wait3A_673 : memref<1x56x64xf32, #tpu.memory_space<vmem>> -> memref<56x64xf32, #tpu.memory_space<vmem>>
      %dma_wait3A_675 = arith.constant 0 : i32
      %dma_wait3A_676 = tpu.memref_slice %arg5[%dma_wait3A_669, %dma_wait3A_675] : memref<512x64xi32, #tpu.memory_space<vmem>> -> memref<1x56xi32, #tpu.memory_space<vmem>>
      %dma_wait3A_677 = tpu.memref_squeeze %dma_wait3A_676 : memref<1x56xi32, #tpu.memory_space<vmem>> -> memref<56xi32, #tpu.memory_space<vmem>>
      %dma_wait3A_678 = arith.constant 0 : i32
      %dma_wait3A_679 = arith.constant 0 : i32
      %dma_wait3A_680 = tpu.memref_slice %arg2[%dma_wait3A_678, %dma_wait3A_679] : memref<1000000x64xf32, #tpu.memory_space<hbm>> -> memref<1000000x64xf32, #tpu.memory_space<hbm>>
      tpu.wait_indirect_dma semaphore(%arg9 : memref<!tpu.dma_semaphore, #tpu.memory_space<semaphore_mem>>) src(%dma_wait3A_680 : memref<1000000x64xf32, #tpu.memory_space<hbm>>) dst(%dma_wait3A_674 : memref<56x64xf32, #tpu.memory_space<vmem>>)
      %add3A_681 = arith.constant 1 : i32
      %add3A_682 = arith.addi %mul3A_471, %add3A_681 : i32
      %mul3A_683 = arith.constant 8 : i32
      %mul3A_684 = arith.muli %add3A_682, %mul3A_683 : i32
      %add3A_685 = arith.addi %mul3A_2, %mul3A_684 : i32
      %dma_start3A_686 = arith.constant 0 : i32
      %dma_start3A_687 = arith.constant 0 : i32
      %dma_start3A_688 = arith.constant 0 : i32
      %dma_start3A_689 = tpu.memref_slice %arg7[%dma_start3A_686, %dma_start3A_687, %dma_start3A_688] : memref<8x56x64xf32, #tpu.memory_space<vmem>> -> memref<8x50x64xf32, #tpu.memory_space<vmem>>
      %dma_start3A_690 = arith.constant 0 : i32
      %dma_start3A_691 = arith.constant 0 : i32
      %dma_start3A_692 = tpu.memref_slice %arg4[%add3A_685, %dma_start3A_690, %dma_start3A_691] : memref<16384x50x64xf32, #tpu.memory_space<hbm>> -> memref<8x50x64xf32, #tpu.memory_space<hbm>>
      %dma_start3A_693 = arith.constant 0 : i32
      %dma_start3A_694 = arith.constant 0 : i32
      %dma_start3A_695 = tpu.memref_slice %arg4[%add3A_685, %dma_start3A_693, %dma_start3A_694] : memref<16384x50x64xf32, #tpu.memory_space<hbm>> -> memref<8x50x64xf32, #tpu.memory_space<hbm>>
      %dma_start3A_696 = arith.constant 0 : i32
      %dma_start3A_697 = arith.constant 0 : i32
      %dma_start3A_698 = arith.constant 0 : i32
      %dma_start3A_699 = tpu.memref_slice %arg7[%dma_start3A_696, %dma_start3A_697, %dma_start3A_698] : memref<8x56x64xf32, #tpu.memory_space<vmem>> -> memref<8x50x64xf32, #tpu.memory_space<vmem>>
      tpu.enqueue_dma source(%dma_start3A_699 : memref<8x50x64xf32, #tpu.memory_space<vmem>>) target(%dma_start3A_695 : memref<8x50x64xf32, #tpu.memory_space<hbm>>) target_semaphore(%arg11 : memref<!tpu.dma_semaphore, #tpu.memory_space<semaphore_mem>>)
      %dma_wait3A_700 = arith.constant 0 : i32
      %dma_wait3A_701 = arith.constant 0 : i32
      %dma_wait3A_702 = arith.constant 0 : i32
      %dma_wait3A_703 = tpu.memref_slice %arg6[%dma_wait3A_700, %dma_wait3A_701, %dma_wait3A_702] : memref<8x56x64xf32, #tpu.memory_space<vmem>> -> memref<8x50x64xf32, #tpu.memory_space<vmem>>
      %dma_wait3A_704 = arith.constant 0 : i32
      %dma_wait3A_705 = arith.constant 0 : i32
      %dma_wait3A_706 = tpu.memref_slice %arg4[%mul3A_2, %dma_wait3A_704, %dma_wait3A_705] : memref<16384x50x64xf32, #tpu.memory_space<hbm>> -> memref<8x50x64xf32, #tpu.memory_space<hbm>>
      %dma_wait3A_707 = arith.constant 0 : i32
      %dma_wait3A_708 = arith.constant 0 : i32
      %dma_wait3A_709 = tpu.memref_slice %arg4[%mul3A_2, %dma_wait3A_707, %dma_wait3A_708] : memref<16384x50x64xf32, #tpu.memory_space<hbm>> -> memref<8x50x64xf32, #tpu.memory_space<hbm>>
      %dma_wait3A_710 = arith.constant 0 : i32
      %dma_wait3A_711 = arith.constant 0 : i32
      %dma_wait3A_712 = arith.constant 0 : i32
      %dma_wait3A_713 = tpu.memref_slice %arg6[%dma_wait3A_710, %dma_wait3A_711, %dma_wait3A_712] : memref<8x56x64xf32, #tpu.memory_space<vmem>> -> memref<8x50x64xf32, #tpu.memory_space<vmem>>
      tpu.wait_dma2 semaphore(%arg10 : memref<!tpu.dma_semaphore, #tpu.memory_space<semaphore_mem>>) src(%dma_wait3A_713 : memref<8x50x64xf32, #tpu.memory_space<vmem>>) dst(%dma_wait3A_709 : memref<8x50x64xf32, #tpu.memory_space<hbm>>)
      %add3A_714 = arith.constant 2 : i32
      %add3A_715 = arith.addi %mul3A_471, %add3A_714 : i32
      %mul3A_716 = arith.constant 8 : i32
      %mul3A_717 = arith.muli %add3A_715, %mul3A_716 : i32
      %add3A_718 = arith.constant 0 : i32
      %add3A_719 = arith.addi %mul3A_717, %add3A_718 : i32
      %dma_start3A_720 = arith.constant 0 : i32
      %dma_start3A_721 = arith.constant 0 : i32
      %dma_start3A_722 = arith.constant 0 : i32
      %dma_start3A_723 = tpu.memref_slice %arg6[%dma_start3A_720, %dma_start3A_721, %dma_start3A_722] : memref<8x56x64xf32, #tpu.memory_space<vmem>> -> memref<1x56x64xf32, #tpu.memory_space<vmem>>
      %dma_start3A_724 = tpu.memref_squeeze %dma_start3A_723 : memref<1x56x64xf32, #tpu.memory_space<vmem>> -> memref<56x64xf32, #tpu.memory_space<vmem>>
      %dma_start3A_725 = arith.constant 0 : i32
      %dma_start3A_726 = tpu.memref_slice %arg5[%add3A_719, %dma_start3A_725] : memref<512x64xi32, #tpu.memory_space<vmem>> -> memref<1x56xi32, #tpu.memory_space<vmem>>
      %dma_start3A_727 = tpu.memref_squeeze %dma_start3A_726 : memref<1x56xi32, #tpu.memory_space<vmem>> -> memref<56xi32, #tpu.memory_space<vmem>>
      %dma_start3A_728 = arith.constant 0 : i32
      %dma_start3A_729 = arith.constant 0 : i32
      %dma_start3A_730 = tpu.memref_slice %arg2[%dma_start3A_728, %dma_start3A_729] : memref<1000000x64xf32, #tpu.memory_space<hbm>> -> memref<1000000x64xf32, #tpu.memory_space<hbm>>
      %dma_start3A_731 = arith.constant 1073741824 : i32
      tpu.enqueue_indirect_dma source(%dma_start3A_730 : memref<1000000x64xf32, #tpu.memory_space<hbm>>) target(%dma_start3A_724 : memref<56x64xf32, #tpu.memory_space<vmem>>) offsets(%dma_start3A_727 : memref<56xi32, #tpu.memory_space<vmem>>) offset_filter(%dma_start3A_731) semaphore(%arg8 : memref<!tpu.dma_semaphore, #tpu.memory_space<semaphore_mem>>)
      %mul3A_732 = arith.constant 8 : i32
      %mul3A_733 = arith.muli %add3A_715, %mul3A_732 : i32
      %add3A_734 = arith.constant 1 : i32
      %add3A_735 = arith.addi %mul3A_733, %add3A_734 : i32
      %dma_start3A_736 = arith.constant 1 : i32
      %dma_start3A_737 = arith.constant 0 : i32
      %dma_start3A_738 = arith.constant 0 : i32
      %dma_start3A_739 = tpu.memref_slice %arg6[%dma_start3A_736, %dma_start3A_737, %dma_start3A_738] : memref<8x56x64xf32, #tpu.memory_space<vmem>> -> memref<1x56x64xf32, #tpu.memory_space<vmem>>
      %dma_start3A_740 = tpu.memref_squeeze %dma_start3A_739 : memref<1x56x64xf32, #tpu.memory_space<vmem>> -> memref<56x64xf32, #tpu.memory_space<vmem>>
      %dma_start3A_741 = arith.constant 0 : i32
      %dma_start3A_742 = tpu.memref_slice %arg5[%add3A_735, %dma_start3A_741] : memref<512x64xi32, #tpu.memory_space<vmem>> -> memref<1x56xi32, #tpu.memory_space<vmem>>
      %dma_start3A_743 = tpu.memref_squeeze %dma_start3A_742 : memref<1x56xi32, #tpu.memory_space<vmem>> -> memref<56xi32, #tpu.memory_space<vmem>>
      %dma_start3A_744 = arith.constant 0 : i32
      %dma_start3A_745 = arith.constant 0 : i32
      %dma_start3A_746 = tpu.memref_slice %arg2[%dma_start3A_744, %dma_start3A_745] : memref<1000000x64xf32, #tpu.memory_space<hbm>> -> memref<1000000x64xf32, #tpu.memory_space<hbm>>
      %dma_start3A_747 = arith.constant 1073741824 : i32
      tpu.enqueue_indirect_dma source(%dma_start3A_746 : memref<1000000x64xf32, #tpu.memory_space<hbm>>) target(%dma_start3A_740 : memref<56x64xf32, #tpu.memory_space<vmem>>) offsets(%dma_start3A_743 : memref<56xi32, #tpu.memory_space<vmem>>) offset_filter(%dma_start3A_747) semaphore(%arg8 : memref<!tpu.dma_semaphore, #tpu.memory_space<semaphore_mem>>)
      %mul3A_748 = arith.constant 8 : i32
      %mul3A_749 = arith.muli %add3A_715, %mul3A_748 : i32
      %add3A_750 = arith.constant 2 : i32
      %add3A_751 = arith.addi %mul3A_749, %add3A_750 : i32
      %dma_start3A_752 = arith.constant 2 : i32
      %dma_start3A_753 = arith.constant 0 : i32
      %dma_start3A_754 = arith.constant 0 : i32
      %dma_start3A_755 = tpu.memref_slice %arg6[%dma_start3A_752, %dma_start3A_753, %dma_start3A_754] : memref<8x56x64xf32, #tpu.memory_space<vmem>> -> memref<1x56x64xf32, #tpu.memory_space<vmem>>
      %dma_start3A_756 = tpu.memref_squeeze %dma_start3A_755 : memref<1x56x64xf32, #tpu.memory_space<vmem>> -> memref<56x64xf32, #tpu.memory_space<vmem>>
      %dma_start3A_757 = arith.constant 0 : i32
      %dma_start3A_758 = tpu.memref_slice %arg5[%add3A_751, %dma_start3A_757] : memref<512x64xi32, #tpu.memory_space<vmem>> -> memref<1x56xi32, #tpu.memory_space<vmem>>
      %dma_start3A_759 = tpu.memref_squeeze %dma_start3A_758 : memref<1x56xi32, #tpu.memory_space<vmem>> -> memref<56xi32, #tpu.memory_space<vmem>>
      %dma_start3A_760 = arith.constant 0 : i32
      %dma_start3A_761 = arith.constant 0 : i32
      %dma_start3A_762 = tpu.memref_slice %arg2[%dma_start3A_760, %dma_start3A_761] : memref<1000000x64xf32, #tpu.memory_space<hbm>> -> memref<1000000x64xf32, #tpu.memory_space<hbm>>
      %dma_start3A_763 = arith.constant 1073741824 : i32
      tpu.enqueue_indirect_dma source(%dma_start3A_762 : memref<1000000x64xf32, #tpu.memory_space<hbm>>) target(%dma_start3A_756 : memref<56x64xf32, #tpu.memory_space<vmem>>) offsets(%dma_start3A_759 : memref<56xi32, #tpu.memory_space<vmem>>) offset_filter(%dma_start3A_763) semaphore(%arg8 : memref<!tpu.dma_semaphore, #tpu.memory_space<semaphore_mem>>)
      %mul3A_764 = arith.constant 8 : i32
      %mul3A_765 = arith.muli %add3A_715, %mul3A_764 : i32
      %add3A_766 = arith.constant 3 : i32
      %add3A_767 = arith.addi %mul3A_765, %add3A_766 : i32
      %dma_start3A_768 = arith.constant 3 : i32
      %dma_start3A_769 = arith.constant 0 : i32
      %dma_start3A_770 = arith.constant 0 : i32
      %dma_start3A_771 = tpu.memref_slice %arg6[%dma_start3A_768, %dma_start3A_769, %dma_start3A_770] : memref<8x56x64xf32, #tpu.memory_space<vmem>> -> memref<1x56x64xf32, #tpu.memory_space<vmem>>
      %dma_start3A_772 = tpu.memref_squeeze %dma_start3A_771 : memref<1x56x64xf32, #tpu.memory_space<vmem>> -> memref<56x64xf32, #tpu.memory_space<vmem>>
      %dma_start3A_773 = arith.constant 0 : i32
      %dma_start3A_774 = tpu.memref_slice %arg5[%add3A_767, %dma_start3A_773] : memref<512x64xi32, #tpu.memory_space<vmem>> -> memref<1x56xi32, #tpu.memory_space<vmem>>
      %dma_start3A_775 = tpu.memref_squeeze %dma_start3A_774 : memref<1x56xi32, #tpu.memory_space<vmem>> -> memref<56xi32, #tpu.memory_space<vmem>>
      %dma_start3A_776 = arith.constant 0 : i32
      %dma_start3A_777 = arith.constant 0 : i32
      %dma_start3A_778 = tpu.memref_slice %arg2[%dma_start3A_776, %dma_start3A_777] : memref<1000000x64xf32, #tpu.memory_space<hbm>> -> memref<1000000x64xf32, #tpu.memory_space<hbm>>
      %dma_start3A_779 = arith.constant 1073741824 : i32
      tpu.enqueue_indirect_dma source(%dma_start3A_778 : memref<1000000x64xf32, #tpu.memory_space<hbm>>) target(%dma_start3A_772 : memref<56x64xf32, #tpu.memory_space<vmem>>) offsets(%dma_start3A_775 : memref<56xi32, #tpu.memory_space<vmem>>) offset_filter(%dma_start3A_779) semaphore(%arg8 : memref<!tpu.dma_semaphore, #tpu.memory_space<semaphore_mem>>)
      %mul3A_780 = arith.constant 8 : i32
      %mul3A_781 = arith.muli %add3A_715, %mul3A_780 : i32
      %add3A_782 = arith.constant 4 : i32
      %add3A_783 = arith.addi %mul3A_781, %add3A_782 : i32
      %dma_start3A_784 = arith.constant 4 : i32
      %dma_start3A_785 = arith.constant 0 : i32
      %dma_start3A_786 = arith.constant 0 : i32
      %dma_start3A_787 = tpu.memref_slice %arg6[%dma_start3A_784, %dma_start3A_785, %dma_start3A_786] : memref<8x56x64xf32, #tpu.memory_space<vmem>> -> memref<1x56x64xf32, #tpu.memory_space<vmem>>
      %dma_start3A_788 = tpu.memref_squeeze %dma_start3A_787 : memref<1x56x64xf32, #tpu.memory_space<vmem>> -> memref<56x64xf32, #tpu.memory_space<vmem>>
      %dma_start3A_789 = arith.constant 0 : i32
      %dma_start3A_790 = tpu.memref_slice %arg5[%add3A_783, %dma_start3A_789] : memref<512x64xi32, #tpu.memory_space<vmem>> -> memref<1x56xi32, #tpu.memory_space<vmem>>
      %dma_start3A_791 = tpu.memref_squeeze %dma_start3A_790 : memref<1x56xi32, #tpu.memory_space<vmem>> -> memref<56xi32, #tpu.memory_space<vmem>>
      %dma_start3A_792 = arith.constant 0 : i32
      %dma_start3A_793 = arith.constant 0 : i32
      %dma_start3A_794 = tpu.memref_slice %arg2[%dma_start3A_792, %dma_start3A_793] : memref<1000000x64xf32, #tpu.memory_space<hbm>> -> memref<1000000x64xf32, #tpu.memory_space<hbm>>
      %dma_start3A_795 = arith.constant 1073741824 : i32
      tpu.enqueue_indirect_dma source(%dma_start3A_794 : memref<1000000x64xf32, #tpu.memory_space<hbm>>) target(%dma_start3A_788 : memref<56x64xf32, #tpu.memory_space<vmem>>) offsets(%dma_start3A_791 : memref<56xi32, #tpu.memory_space<vmem>>) offset_filter(%dma_start3A_795) semaphore(%arg8 : memref<!tpu.dma_semaphore, #tpu.memory_space<semaphore_mem>>)
      %mul3A_796 = arith.constant 8 : i32
      %mul3A_797 = arith.muli %add3A_715, %mul3A_796 : i32
      %add3A_798 = arith.constant 5 : i32
      %add3A_799 = arith.addi %mul3A_797, %add3A_798 : i32
      %dma_start3A_800 = arith.constant 5 : i32
      %dma_start3A_801 = arith.constant 0 : i32
      %dma_start3A_802 = arith.constant 0 : i32
      %dma_start3A_803 = tpu.memref_slice %arg6[%dma_start3A_800, %dma_start3A_801, %dma_start3A_802] : memref<8x56x64xf32, #tpu.memory_space<vmem>> -> memref<1x56x64xf32, #tpu.memory_space<vmem>>
      %dma_start3A_804 = tpu.memref_squeeze %dma_start3A_803 : memref<1x56x64xf32, #tpu.memory_space<vmem>> -> memref<56x64xf32, #tpu.memory_space<vmem>>
      %dma_start3A_805 = arith.constant 0 : i32
      %dma_start3A_806 = tpu.memref_slice %arg5[%add3A_799, %dma_start3A_805] : memref<512x64xi32, #tpu.memory_space<vmem>> -> memref<1x56xi32, #tpu.memory_space<vmem>>
      %dma_start3A_807 = tpu.memref_squeeze %dma_start3A_806 : memref<1x56xi32, #tpu.memory_space<vmem>> -> memref<56xi32, #tpu.memory_space<vmem>>
      %dma_start3A_808 = arith.constant 0 : i32
      %dma_start3A_809 = arith.constant 0 : i32
      %dma_start3A_810 = tpu.memref_slice %arg2[%dma_start3A_808, %dma_start3A_809] : memref<1000000x64xf32, #tpu.memory_space<hbm>> -> memref<1000000x64xf32, #tpu.memory_space<hbm>>
      %dma_start3A_811 = arith.constant 1073741824 : i32
      tpu.enqueue_indirect_dma source(%dma_start3A_810 : memref<1000000x64xf32, #tpu.memory_space<hbm>>) target(%dma_start3A_804 : memref<56x64xf32, #tpu.memory_space<vmem>>) offsets(%dma_start3A_807 : memref<56xi32, #tpu.memory_space<vmem>>) offset_filter(%dma_start3A_811) semaphore(%arg8 : memref<!tpu.dma_semaphore, #tpu.memory_space<semaphore_mem>>)
      %mul3A_812 = arith.constant 8 : i32
      %mul3A_813 = arith.muli %add3A_715, %mul3A_812 : i32
      %add3A_814 = arith.constant 6 : i32
      %add3A_815 = arith.addi %mul3A_813, %add3A_814 : i32
      %dma_start3A_816 = arith.constant 6 : i32
      %dma_start3A_817 = arith.constant 0 : i32
      %dma_start3A_818 = arith.constant 0 : i32
      %dma_start3A_819 = tpu.memref_slice %arg6[%dma_start3A_816, %dma_start3A_817, %dma_start3A_818] : memref<8x56x64xf32, #tpu.memory_space<vmem>> -> memref<1x56x64xf32, #tpu.memory_space<vmem>>
      %dma_start3A_820 = tpu.memref_squeeze %dma_start3A_819 : memref<1x56x64xf32, #tpu.memory_space<vmem>> -> memref<56x64xf32, #tpu.memory_space<vmem>>
      %dma_start3A_821 = arith.constant 0 : i32
      %dma_start3A_822 = tpu.memref_slice %arg5[%add3A_815, %dma_start3A_821] : memref<512x64xi32, #tpu.memory_space<vmem>> -> memref<1x56xi32, #tpu.memory_space<vmem>>
      %dma_start3A_823 = tpu.memref_squeeze %dma_start3A_822 : memref<1x56xi32, #tpu.memory_space<vmem>> -> memref<56xi32, #tpu.memory_space<vmem>>
      %dma_start3A_824 = arith.constant 0 : i32
      %dma_start3A_825 = arith.constant 0 : i32
      %dma_start3A_826 = tpu.memref_slice %arg2[%dma_start3A_824, %dma_start3A_825] : memref<1000000x64xf32, #tpu.memory_space<hbm>> -> memref<1000000x64xf32, #tpu.memory_space<hbm>>
      %dma_start3A_827 = arith.constant 1073741824 : i32
      tpu.enqueue_indirect_dma source(%dma_start3A_826 : memref<1000000x64xf32, #tpu.memory_space<hbm>>) target(%dma_start3A_820 : memref<56x64xf32, #tpu.memory_space<vmem>>) offsets(%dma_start3A_823 : memref<56xi32, #tpu.memory_space<vmem>>) offset_filter(%dma_start3A_827) semaphore(%arg8 : memref<!tpu.dma_semaphore, #tpu.memory_space<semaphore_mem>>)
      %mul3A_828 = arith.constant 8 : i32
      %mul3A_829 = arith.muli %add3A_715, %mul3A_828 : i32
      %add3A_830 = arith.constant 7 : i32
      %add3A_831 = arith.addi %mul3A_829, %add3A_830 : i32
      %dma_start3A_832 = arith.constant 7 : i32
      %dma_start3A_833 = arith.constant 0 : i32
      %dma_start3A_834 = arith.constant 0 : i32
      %dma_start3A_835 = tpu.memref_slice %arg6[%dma_start3A_832, %dma_start3A_833, %dma_start3A_834] : memref<8x56x64xf32, #tpu.memory_space<vmem>> -> memref<1x56x64xf32, #tpu.memory_space<vmem>>
      %dma_start3A_836 = tpu.memref_squeeze %dma_start3A_835 : memref<1x56x64xf32, #tpu.memory_space<vmem>> -> memref<56x64xf32, #tpu.memory_space<vmem>>
      %dma_start3A_837 = arith.constant 0 : i32
      %dma_start3A_838 = tpu.memref_slice %arg5[%add3A_831, %dma_start3A_837] : memref<512x64xi32, #tpu.memory_space<vmem>> -> memref<1x56xi32, #tpu.memory_space<vmem>>
      %dma_start3A_839 = tpu.memref_squeeze %dma_start3A_838 : memref<1x56xi32, #tpu.memory_space<vmem>> -> memref<56xi32, #tpu.memory_space<vmem>>
      %dma_start3A_840 = arith.constant 0 : i32
      %dma_start3A_841 = arith.constant 0 : i32
      %dma_start3A_842 = tpu.memref_slice %arg2[%dma_start3A_840, %dma_start3A_841] : memref<1000000x64xf32, #tpu.memory_space<hbm>> -> memref<1000000x64xf32, #tpu.memory_space<hbm>>
      %dma_start3A_843 = arith.constant 1073741824 : i32
      tpu.enqueue_indirect_dma source(%dma_start3A_842 : memref<1000000x64xf32, #tpu.memory_space<hbm>>) target(%dma_start3A_836 : memref<56x64xf32, #tpu.memory_space<vmem>>) offsets(%dma_start3A_839 : memref<56xi32, #tpu.memory_space<vmem>>) offset_filter(%dma_start3A_843) semaphore(%arg8 : memref<!tpu.dma_semaphore, #tpu.memory_space<semaphore_mem>>)
      %dma_wait3A_844 = arith.constant 0 : i32
      %dma_wait3A_845 = arith.constant 0 : i32
      %dma_wait3A_846 = arith.constant 0 : i32
      %dma_wait3A_847 = tpu.memref_slice %arg7[%dma_wait3A_844, %dma_wait3A_845, %dma_wait3A_846] : memref<8x56x64xf32, #tpu.memory_space<vmem>> -> memref<8x50x64xf32, #tpu.memory_space<vmem>>
      %dma_wait3A_848 = arith.constant 0 : i32
      %dma_wait3A_849 = arith.constant 0 : i32
      %dma_wait3A_850 = tpu.memref_slice %arg4[%mul3A_2, %dma_wait3A_848, %dma_wait3A_849] : memref<16384x50x64xf32, #tpu.memory_space<hbm>> -> memref<8x50x64xf32, #tpu.memory_space<hbm>>
      %dma_wait3A_851 = arith.constant 0 : i32
      %dma_wait3A_852 = arith.constant 0 : i32
      %dma_wait3A_853 = tpu.memref_slice %arg4[%mul3A_2, %dma_wait3A_851, %dma_wait3A_852] : memref<16384x50x64xf32, #tpu.memory_space<hbm>> -> memref<8x50x64xf32, #tpu.memory_space<hbm>>
      %dma_wait3A_854 = arith.constant 0 : i32
      %dma_wait3A_855 = arith.constant 0 : i32
      %dma_wait3A_856 = arith.constant 0 : i32
      %dma_wait3A_857 = tpu.memref_slice %arg7[%dma_wait3A_854, %dma_wait3A_855, %dma_wait3A_856] : memref<8x56x64xf32, #tpu.memory_space<vmem>> -> memref<8x50x64xf32, #tpu.memory_space<vmem>>
      tpu.wait_dma2 semaphore(%arg11 : memref<!tpu.dma_semaphore, #tpu.memory_space<semaphore_mem>>) src(%dma_wait3A_857 : memref<8x50x64xf32, #tpu.memory_space<vmem>>) dst(%dma_wait3A_853 : memref<8x50x64xf32, #tpu.memory_space<hbm>>)
      %add3A_858 = arith.constant 3 : i32
      %add3A_859 = arith.addi %mul3A_471, %add3A_858 : i32
      %mul3A_860 = arith.constant 8 : i32
      %mul3A_861 = arith.muli %add3A_859, %mul3A_860 : i32
      %add3A_862 = arith.constant 0 : i32
      %add3A_863 = arith.addi %mul3A_861, %add3A_862 : i32
      %dma_start3A_864 = arith.constant 0 : i32
      %dma_start3A_865 = arith.constant 0 : i32
      %dma_start3A_866 = arith.constant 0 : i32
      %dma_start3A_867 = tpu.memref_slice %arg7[%dma_start3A_864, %dma_start3A_865, %dma_start3A_866] : memref<8x56x64xf32, #tpu.memory_space<vmem>> -> memref<1x56x64xf32, #tpu.memory_space<vmem>>
      %dma_start3A_868 = tpu.memref_squeeze %dma_start3A_867 : memref<1x56x64xf32, #tpu.memory_space<vmem>> -> memref<56x64xf32, #tpu.memory_space<vmem>>
      %dma_start3A_869 = arith.constant 0 : i32
      %dma_start3A_870 = tpu.memref_slice %arg5[%add3A_863, %dma_start3A_869] : memref<512x64xi32, #tpu.memory_space<vmem>> -> memref<1x56xi32, #tpu.memory_space<vmem>>
      %dma_start3A_871 = tpu.memref_squeeze %dma_start3A_870 : memref<1x56xi32, #tpu.memory_space<vmem>> -> memref<56xi32, #tpu.memory_space<vmem>>
      %dma_start3A_872 = arith.constant 0 : i32
      %dma_start3A_873 = arith.constant 0 : i32
      %dma_start3A_874 = tpu.memref_slice %arg2[%dma_start3A_872, %dma_start3A_873] : memref<1000000x64xf32, #tpu.memory_space<hbm>> -> memref<1000000x64xf32, #tpu.memory_space<hbm>>
      %dma_start3A_875 = arith.constant 1073741824 : i32
      tpu.enqueue_indirect_dma source(%dma_start3A_874 : memref<1000000x64xf32, #tpu.memory_space<hbm>>) target(%dma_start3A_868 : memref<56x64xf32, #tpu.memory_space<vmem>>) offsets(%dma_start3A_871 : memref<56xi32, #tpu.memory_space<vmem>>) offset_filter(%dma_start3A_875) semaphore(%arg9 : memref<!tpu.dma_semaphore, #tpu.memory_space<semaphore_mem>>)
      %mul3A_876 = arith.constant 8 : i32
      %mul3A_877 = arith.muli %add3A_859, %mul3A_876 : i32
      %add3A_878 = arith.constant 1 : i32
      %add3A_879 = arith.addi %mul3A_877, %add3A_878 : i32
      %dma_start3A_880 = arith.constant 1 : i32
      %dma_start3A_881 = arith.constant 0 : i32
      %dma_start3A_882 = arith.constant 0 : i32
      %dma_start3A_883 = tpu.memref_slice %arg7[%dma_start3A_880, %dma_start3A_881, %dma_start3A_882] : memref<8x56x64xf32, #tpu.memory_space<vmem>> -> memref<1x56x64xf32, #tpu.memory_space<vmem>>
      %dma_start3A_884 = tpu.memref_squeeze %dma_start3A_883 : memref<1x56x64xf32, #tpu.memory_space<vmem>> -> memref<56x64xf32, #tpu.memory_space<vmem>>
      %dma_start3A_885 = arith.constant 0 : i32
      %dma_start3A_886 = tpu.memref_slice %arg5[%add3A_879, %dma_start3A_885] : memref<512x64xi32, #tpu.memory_space<vmem>> -> memref<1x56xi32, #tpu.memory_space<vmem>>
      %dma_start3A_887 = tpu.memref_squeeze %dma_start3A_886 : memref<1x56xi32, #tpu.memory_space<vmem>> -> memref<56xi32, #tpu.memory_space<vmem>>
      %dma_start3A_888 = arith.constant 0 : i32
      %dma_start3A_889 = arith.constant 0 : i32
      %dma_start3A_890 = tpu.memref_slice %arg2[%dma_start3A_888, %dma_start3A_889] : memref<1000000x64xf32, #tpu.memory_space<hbm>> -> memref<1000000x64xf32, #tpu.memory_space<hbm>>
      %dma_start3A_891 = arith.constant 1073741824 : i32
      tpu.enqueue_indirect_dma source(%dma_start3A_890 : memref<1000000x64xf32, #tpu.memory_space<hbm>>) target(%dma_start3A_884 : memref<56x64xf32, #tpu.memory_space<vmem>>) offsets(%dma_start3A_887 : memref<56xi32, #tpu.memory_space<vmem>>) offset_filter(%dma_start3A_891) semaphore(%arg9 : memref<!tpu.dma_semaphore, #tpu.memory_space<semaphore_mem>>)
      %mul3A_892 = arith.constant 8 : i32
      %mul3A_893 = arith.muli %add3A_859, %mul3A_892 : i32
      %add3A_894 = arith.constant 2 : i32
      %add3A_895 = arith.addi %mul3A_893, %add3A_894 : i32
      %dma_start3A_896 = arith.constant 2 : i32
      %dma_start3A_897 = arith.constant 0 : i32
      %dma_start3A_898 = arith.constant 0 : i32
      %dma_start3A_899 = tpu.memref_slice %arg7[%dma_start3A_896, %dma_start3A_897, %dma_start3A_898] : memref<8x56x64xf32, #tpu.memory_space<vmem>> -> memref<1x56x64xf32, #tpu.memory_space<vmem>>
      %dma_start3A_900 = tpu.memref_squeeze %dma_start3A_899 : memref<1x56x64xf32, #tpu.memory_space<vmem>> -> memref<56x64xf32, #tpu.memory_space<vmem>>
      %dma_start3A_901 = arith.constant 0 : i32
      %dma_start3A_902 = tpu.memref_slice %arg5[%add3A_895, %dma_start3A_901] : memref<512x64xi32, #tpu.memory_space<vmem>> -> memref<1x56xi32, #tpu.memory_space<vmem>>
      %dma_start3A_903 = tpu.memref_squeeze %dma_start3A_902 : memref<1x56xi32, #tpu.memory_space<vmem>> -> memref<56xi32, #tpu.memory_space<vmem>>
      %dma_start3A_904 = arith.constant 0 : i32
      %dma_start3A_905 = arith.constant 0 : i32
      %dma_start3A_906 = tpu.memref_slice %arg2[%dma_start3A_904, %dma_start3A_905] : memref<1000000x64xf32, #tpu.memory_space<hbm>> -> memref<1000000x64xf32, #tpu.memory_space<hbm>>
      %dma_start3A_907 = arith.constant 1073741824 : i32
      tpu.enqueue_indirect_dma source(%dma_start3A_906 : memref<1000000x64xf32, #tpu.memory_space<hbm>>) target(%dma_start3A_900 : memref<56x64xf32, #tpu.memory_space<vmem>>) offsets(%dma_start3A_903 : memref<56xi32, #tpu.memory_space<vmem>>) offset_filter(%dma_start3A_907) semaphore(%arg9 : memref<!tpu.dma_semaphore, #tpu.memory_space<semaphore_mem>>)
      %mul3A_908 = arith.constant 8 : i32
      %mul3A_909 = arith.muli %add3A_859, %mul3A_908 : i32
      %add3A_910 = arith.constant 3 : i32
      %add3A_911 = arith.addi %mul3A_909, %add3A_910 : i32
      %dma_start3A_912 = arith.constant 3 : i32
      %dma_start3A_913 = arith.constant 0 : i32
      %dma_start3A_914 = arith.constant 0 : i32
      %dma_start3A_915 = tpu.memref_slice %arg7[%dma_start3A_912, %dma_start3A_913, %dma_start3A_914] : memref<8x56x64xf32, #tpu.memory_space<vmem>> -> memref<1x56x64xf32, #tpu.memory_space<vmem>>
      %dma_start3A_916 = tpu.memref_squeeze %dma_start3A_915 : memref<1x56x64xf32, #tpu.memory_space<vmem>> -> memref<56x64xf32, #tpu.memory_space<vmem>>
      %dma_start3A_917 = arith.constant 0 : i32
      %dma_start3A_918 = tpu.memref_slice %arg5[%add3A_911, %dma_start3A_917] : memref<512x64xi32, #tpu.memory_space<vmem>> -> memref<1x56xi32, #tpu.memory_space<vmem>>
      %dma_start3A_919 = tpu.memref_squeeze %dma_start3A_918 : memref<1x56xi32, #tpu.memory_space<vmem>> -> memref<56xi32, #tpu.memory_space<vmem>>
      %dma_start3A_920 = arith.constant 0 : i32
      %dma_start3A_921 = arith.constant 0 : i32
      %dma_start3A_922 = tpu.memref_slice %arg2[%dma_start3A_920, %dma_start3A_921] : memref<1000000x64xf32, #tpu.memory_space<hbm>> -> memref<1000000x64xf32, #tpu.memory_space<hbm>>
      %dma_start3A_923 = arith.constant 1073741824 : i32
      tpu.enqueue_indirect_dma source(%dma_start3A_922 : memref<1000000x64xf32, #tpu.memory_space<hbm>>) target(%dma_start3A_916 : memref<56x64xf32, #tpu.memory_space<vmem>>) offsets(%dma_start3A_919 : memref<56xi32, #tpu.memory_space<vmem>>) offset_filter(%dma_start3A_923) semaphore(%arg9 : memref<!tpu.dma_semaphore, #tpu.memory_space<semaphore_mem>>)
      %mul3A_924 = arith.constant 8 : i32
      %mul3A_925 = arith.muli %add3A_859, %mul3A_924 : i32
      %add3A_926 = arith.constant 4 : i32
      %add3A_927 = arith.addi %mul3A_925, %add3A_926 : i32
      %dma_start3A_928 = arith.constant 4 : i32
      %dma_start3A_929 = arith.constant 0 : i32
      %dma_start3A_930 = arith.constant 0 : i32
      %dma_start3A_931 = tpu.memref_slice %arg7[%dma_start3A_928, %dma_start3A_929, %dma_start3A_930] : memref<8x56x64xf32, #tpu.memory_space<vmem>> -> memref<1x56x64xf32, #tpu.memory_space<vmem>>
      %dma_start3A_932 = tpu.memref_squeeze %dma_start3A_931 : memref<1x56x64xf32, #tpu.memory_space<vmem>> -> memref<56x64xf32, #tpu.memory_space<vmem>>
      %dma_start3A_933 = arith.constant 0 : i32
      %dma_start3A_934 = tpu.memref_slice %arg5[%add3A_927, %dma_start3A_933] : memref<512x64xi32, #tpu.memory_space<vmem>> -> memref<1x56xi32, #tpu.memory_space<vmem>>
      %dma_start3A_935 = tpu.memref_squeeze %dma_start3A_934 : memref<1x56xi32, #tpu.memory_space<vmem>> -> memref<56xi32, #tpu.memory_space<vmem>>
      %dma_start3A_936 = arith.constant 0 : i32
      %dma_start3A_937 = arith.constant 0 : i32
      %dma_start3A_938 = tpu.memref_slice %arg2[%dma_start3A_936, %dma_start3A_937] : memref<1000000x64xf32, #tpu.memory_space<hbm>> -> memref<1000000x64xf32, #tpu.memory_space<hbm>>
      %dma_start3A_939 = arith.constant 1073741824 : i32
      tpu.enqueue_indirect_dma source(%dma_start3A_938 : memref<1000000x64xf32, #tpu.memory_space<hbm>>) target(%dma_start3A_932 : memref<56x64xf32, #tpu.memory_space<vmem>>) offsets(%dma_start3A_935 : memref<56xi32, #tpu.memory_space<vmem>>) offset_filter(%dma_start3A_939) semaphore(%arg9 : memref<!tpu.dma_semaphore, #tpu.memory_space<semaphore_mem>>)
      %mul3A_940 = arith.constant 8 : i32
      %mul3A_941 = arith.muli %add3A_859, %mul3A_940 : i32
      %add3A_942 = arith.constant 5 : i32
      %add3A_943 = arith.addi %mul3A_941, %add3A_942 : i32
      %dma_start3A_944 = arith.constant 5 : i32
      %dma_start3A_945 = arith.constant 0 : i32
      %dma_start3A_946 = arith.constant 0 : i32
      %dma_start3A_947 = tpu.memref_slice %arg7[%dma_start3A_944, %dma_start3A_945, %dma_start3A_946] : memref<8x56x64xf32, #tpu.memory_space<vmem>> -> memref<1x56x64xf32, #tpu.memory_space<vmem>>
      %dma_start3A_948 = tpu.memref_squeeze %dma_start3A_947 : memref<1x56x64xf32, #tpu.memory_space<vmem>> -> memref<56x64xf32, #tpu.memory_space<vmem>>
      %dma_start3A_949 = arith.constant 0 : i32
      %dma_start3A_950 = tpu.memref_slice %arg5[%add3A_943, %dma_start3A_949] : memref<512x64xi32, #tpu.memory_space<vmem>> -> memref<1x56xi32, #tpu.memory_space<vmem>>
      %dma_start3A_951 = tpu.memref_squeeze %dma_start3A_950 : memref<1x56xi32, #tpu.memory_space<vmem>> -> memref<56xi32, #tpu.memory_space<vmem>>
      %dma_start3A_952 = arith.constant 0 : i32
      %dma_start3A_953 = arith.constant 0 : i32
      %dma_start3A_954 = tpu.memref_slice %arg2[%dma_start3A_952, %dma_start3A_953] : memref<1000000x64xf32, #tpu.memory_space<hbm>> -> memref<1000000x64xf32, #tpu.memory_space<hbm>>
      %dma_start3A_955 = arith.constant 1073741824 : i32
      tpu.enqueue_indirect_dma source(%dma_start3A_954 : memref<1000000x64xf32, #tpu.memory_space<hbm>>) target(%dma_start3A_948 : memref<56x64xf32, #tpu.memory_space<vmem>>) offsets(%dma_start3A_951 : memref<56xi32, #tpu.memory_space<vmem>>) offset_filter(%dma_start3A_955) semaphore(%arg9 : memref<!tpu.dma_semaphore, #tpu.memory_space<semaphore_mem>>)
      %mul3A_956 = arith.constant 8 : i32
      %mul3A_957 = arith.muli %add3A_859, %mul3A_956 : i32
      %add3A_958 = arith.constant 6 : i32
      %add3A_959 = arith.addi %mul3A_957, %add3A_958 : i32
      %dma_start3A_960 = arith.constant 6 : i32
      %dma_start3A_961 = arith.constant 0 : i32
      %dma_start3A_962 = arith.constant 0 : i32
      %dma_start3A_963 = tpu.memref_slice %arg7[%dma_start3A_960, %dma_start3A_961, %dma_start3A_962] : memref<8x56x64xf32, #tpu.memory_space<vmem>> -> memref<1x56x64xf32, #tpu.memory_space<vmem>>
      %dma_start3A_964 = tpu.memref_squeeze %dma_start3A_963 : memref<1x56x64xf32, #tpu.memory_space<vmem>> -> memref<56x64xf32, #tpu.memory_space<vmem>>
      %dma_start3A_965 = arith.constant 0 : i32
      %dma_start3A_966 = tpu.memref_slice %arg5[%add3A_959, %dma_start3A_965] : memref<512x64xi32, #tpu.memory_space<vmem>> -> memref<1x56xi32, #tpu.memory_space<vmem>>
      %dma_start3A_967 = tpu.memref_squeeze %dma_start3A_966 : memref<1x56xi32, #tpu.memory_space<vmem>> -> memref<56xi32, #tpu.memory_space<vmem>>
      %dma_start3A_968 = arith.constant 0 : i32
      %dma_start3A_969 = arith.constant 0 : i32
      %dma_start3A_970 = tpu.memref_slice %arg2[%dma_start3A_968, %dma_start3A_969] : memref<1000000x64xf32, #tpu.memory_space<hbm>> -> memref<1000000x64xf32, #tpu.memory_space<hbm>>
      %dma_start3A_971 = arith.constant 1073741824 : i32
      tpu.enqueue_indirect_dma source(%dma_start3A_970 : memref<1000000x64xf32, #tpu.memory_space<hbm>>) target(%dma_start3A_964 : memref<56x64xf32, #tpu.memory_space<vmem>>) offsets(%dma_start3A_967 : memref<56xi32, #tpu.memory_space<vmem>>) offset_filter(%dma_start3A_971) semaphore(%arg9 : memref<!tpu.dma_semaphore, #tpu.memory_space<semaphore_mem>>)
      %mul3A_972 = arith.constant 8 : i32
      %mul3A_973 = arith.muli %add3A_859, %mul3A_972 : i32
      %add3A_974 = arith.constant 7 : i32
      %add3A_975 = arith.addi %mul3A_973, %add3A_974 : i32
      %dma_start3A_976 = arith.constant 7 : i32
      %dma_start3A_977 = arith.constant 0 : i32
      %dma_start3A_978 = arith.constant 0 : i32
      %dma_start3A_979 = tpu.memref_slice %arg7[%dma_start3A_976, %dma_start3A_977, %dma_start3A_978] : memref<8x56x64xf32, #tpu.memory_space<vmem>> -> memref<1x56x64xf32, #tpu.memory_space<vmem>>
      %dma_start3A_980 = tpu.memref_squeeze %dma_start3A_979 : memref<1x56x64xf32, #tpu.memory_space<vmem>> -> memref<56x64xf32, #tpu.memory_space<vmem>>
      %dma_start3A_981 = arith.constant 0 : i32
      %dma_start3A_982 = tpu.memref_slice %arg5[%add3A_975, %dma_start3A_981] : memref<512x64xi32, #tpu.memory_space<vmem>> -> memref<1x56xi32, #tpu.memory_space<vmem>>
      %dma_start3A_983 = tpu.memref_squeeze %dma_start3A_982 : memref<1x56xi32, #tpu.memory_space<vmem>> -> memref<56xi32, #tpu.memory_space<vmem>>
      %dma_start3A_984 = arith.constant 0 : i32
      %dma_start3A_985 = arith.constant 0 : i32
      %dma_start3A_986 = tpu.memref_slice %arg2[%dma_start3A_984, %dma_start3A_985] : memref<1000000x64xf32, #tpu.memory_space<hbm>> -> memref<1000000x64xf32, #tpu.memory_space<hbm>>
      %dma_start3A_987 = arith.constant 1073741824 : i32
      tpu.enqueue_indirect_dma source(%dma_start3A_986 : memref<1000000x64xf32, #tpu.memory_space<hbm>>) target(%dma_start3A_980 : memref<56x64xf32, #tpu.memory_space<vmem>>) offsets(%dma_start3A_983 : memref<56xi32, #tpu.memory_space<vmem>>) offset_filter(%dma_start3A_987) semaphore(%arg9 : memref<!tpu.dma_semaphore, #tpu.memory_space<semaphore_mem>>)
    }
    %scan3A_213 = arith.constant 31 : i32
    %dma_wait3A = arith.constant 0 : i32
    %dma_wait3A_214 = arith.constant 0 : i32
    %dma_wait3A_215 = arith.constant 0 : i32
    %dma_wait3A_216 = arith.constant 0 : i32
    %dma_wait3A_217 = tpu.memref_slice %arg6[%dma_wait3A_214, %dma_wait3A_215, %dma_wait3A_216] : memref<8x56x64xf32, #tpu.memory_space<vmem>> -> memref<1x56x64xf32, #tpu.memory_space<vmem>>
    %dma_wait3A_218 = tpu.memref_squeeze %dma_wait3A_217 : memref<1x56x64xf32, #tpu.memory_space<vmem>> -> memref<56x64xf32, #tpu.memory_space<vmem>>
    %dma_wait3A_219 = arith.constant 0 : i32
    %dma_wait3A_220 = tpu.memref_slice %arg5[%dma_wait3A, %dma_wait3A_219] : memref<512x64xi32, #tpu.memory_space<vmem>> -> memref<1x56xi32, #tpu.memory_space<vmem>>
    %dma_wait3A_221 = tpu.memref_squeeze %dma_wait3A_220 : memref<1x56xi32, #tpu.memory_space<vmem>> -> memref<56xi32, #tpu.memory_space<vmem>>
    %dma_wait3A_222 = arith.constant 0 : i32
    %dma_wait3A_223 = arith.constant 0 : i32
    %dma_wait3A_224 = tpu.memref_slice %arg2[%dma_wait3A_222, %dma_wait3A_223] : memref<1000000x64xf32, #tpu.memory_space<hbm>> -> memref<1000000x64xf32, #tpu.memory_space<hbm>>
    tpu.wait_indirect_dma semaphore(%arg8 : memref<!tpu.dma_semaphore, #tpu.memory_space<semaphore_mem>>) src(%dma_wait3A_224 : memref<1000000x64xf32, #tpu.memory_space<hbm>>) dst(%dma_wait3A_218 : memref<56x64xf32, #tpu.memory_space<vmem>>)
    %dma_wait3A_225 = arith.constant 0 : i32
    %dma_wait3A_226 = arith.constant 1 : i32
    %dma_wait3A_227 = arith.constant 0 : i32
    %dma_wait3A_228 = arith.constant 0 : i32
    %dma_wait3A_229 = tpu.memref_slice %arg6[%dma_wait3A_226, %dma_wait3A_227, %dma_wait3A_228] : memref<8x56x64xf32, #tpu.memory_space<vmem>> -> memref<1x56x64xf32, #tpu.memory_space<vmem>>
    %dma_wait3A_230 = tpu.memref_squeeze %dma_wait3A_229 : memref<1x56x64xf32, #tpu.memory_space<vmem>> -> memref<56x64xf32, #tpu.memory_space<vmem>>
    %dma_wait3A_231 = arith.constant 0 : i32
    %dma_wait3A_232 = tpu.memref_slice %arg5[%dma_wait3A_225, %dma_wait3A_231] : memref<512x64xi32, #tpu.memory_space<vmem>> -> memref<1x56xi32, #tpu.memory_space<vmem>>
    %dma_wait3A_233 = tpu.memref_squeeze %dma_wait3A_232 : memref<1x56xi32, #tpu.memory_space<vmem>> -> memref<56xi32, #tpu.memory_space<vmem>>
    %dma_wait3A_234 = arith.constant 0 : i32
    %dma_wait3A_235 = arith.constant 0 : i32
    %dma_wait3A_236 = tpu.memref_slice %arg2[%dma_wait3A_234, %dma_wait3A_235] : memref<1000000x64xf32, #tpu.memory_space<hbm>> -> memref<1000000x64xf32, #tpu.memory_space<hbm>>
    tpu.wait_indirect_dma semaphore(%arg8 : memref<!tpu.dma_semaphore, #tpu.memory_space<semaphore_mem>>) src(%dma_wait3A_236 : memref<1000000x64xf32, #tpu.memory_space<hbm>>) dst(%dma_wait3A_230 : memref<56x64xf32, #tpu.memory_space<vmem>>)
    %dma_wait3A_237 = arith.constant 0 : i32
    %dma_wait3A_238 = arith.constant 2 : i32
    %dma_wait3A_239 = arith.constant 0 : i32
    %dma_wait3A_240 = arith.constant 0 : i32
    %dma_wait3A_241 = tpu.memref_slice %arg6[%dma_wait3A_238, %dma_wait3A_239, %dma_wait3A_240] : memref<8x56x64xf32, #tpu.memory_space<vmem>> -> memref<1x56x64xf32, #tpu.memory_space<vmem>>
    %dma_wait3A_242 = tpu.memref_squeeze %dma_wait3A_241 : memref<1x56x64xf32, #tpu.memory_space<vmem>> -> memref<56x64xf32, #tpu.memory_space<vmem>>
    %dma_wait3A_243 = arith.constant 0 : i32
    %dma_wait3A_244 = tpu.memref_slice %arg5[%dma_wait3A_237, %dma_wait3A_243] : memref<512x64xi32, #tpu.memory_space<vmem>> -> memref<1x56xi32, #tpu.memory_space<vmem>>
    %dma_wait3A_245 = tpu.memref_squeeze %dma_wait3A_244 : memref<1x56xi32, #tpu.memory_space<vmem>> -> memref<56xi32, #tpu.memory_space<vmem>>
    %dma_wait3A_246 = arith.constant 0 : i32
    %dma_wait3A_247 = arith.constant 0 : i32
    %dma_wait3A_248 = tpu.memref_slice %arg2[%dma_wait3A_246, %dma_wait3A_247] : memref<1000000x64xf32, #tpu.memory_space<hbm>> -> memref<1000000x64xf32, #tpu.memory_space<hbm>>
    tpu.wait_indirect_dma semaphore(%arg8 : memref<!tpu.dma_semaphore, #tpu.memory_space<semaphore_mem>>) src(%dma_wait3A_248 : memref<1000000x64xf32, #tpu.memory_space<hbm>>) dst(%dma_wait3A_242 : memref<56x64xf32, #tpu.memory_space<vmem>>)
    %dma_wait3A_249 = arith.constant 0 : i32
    %dma_wait3A_250 = arith.constant 3 : i32
    %dma_wait3A_251 = arith.constant 0 : i32
    %dma_wait3A_252 = arith.constant 0 : i32
    %dma_wait3A_253 = tpu.memref_slice %arg6[%dma_wait3A_250, %dma_wait3A_251, %dma_wait3A_252] : memref<8x56x64xf32, #tpu.memory_space<vmem>> -> memref<1x56x64xf32, #tpu.memory_space<vmem>>
    %dma_wait3A_254 = tpu.memref_squeeze %dma_wait3A_253 : memref<1x56x64xf32, #tpu.memory_space<vmem>> -> memref<56x64xf32, #tpu.memory_space<vmem>>
    %dma_wait3A_255 = arith.constant 0 : i32
    %dma_wait3A_256 = tpu.memref_slice %arg5[%dma_wait3A_249, %dma_wait3A_255] : memref<512x64xi32, #tpu.memory_space<vmem>> -> memref<1x56xi32, #tpu.memory_space<vmem>>
    %dma_wait3A_257 = tpu.memref_squeeze %dma_wait3A_256 : memref<1x56xi32, #tpu.memory_space<vmem>> -> memref<56xi32, #tpu.memory_space<vmem>>
    %dma_wait3A_258 = arith.constant 0 : i32
    %dma_wait3A_259 = arith.constant 0 : i32
    %dma_wait3A_260 = tpu.memref_slice %arg2[%dma_wait3A_258, %dma_wait3A_259] : memref<1000000x64xf32, #tpu.memory_space<hbm>> -> memref<1000000x64xf32, #tpu.memory_space<hbm>>
    tpu.wait_indirect_dma semaphore(%arg8 : memref<!tpu.dma_semaphore, #tpu.memory_space<semaphore_mem>>) src(%dma_wait3A_260 : memref<1000000x64xf32, #tpu.memory_space<hbm>>) dst(%dma_wait3A_254 : memref<56x64xf32, #tpu.memory_space<vmem>>)
    %dma_wait3A_261 = arith.constant 0 : i32
    %dma_wait3A_262 = arith.constant 4 : i32
    %dma_wait3A_263 = arith.constant 0 : i32
    %dma_wait3A_264 = arith.constant 0 : i32
    %dma_wait3A_265 = tpu.memref_slice %arg6[%dma_wait3A_262, %dma_wait3A_263, %dma_wait3A_264] : memref<8x56x64xf32, #tpu.memory_space<vmem>> -> memref<1x56x64xf32, #tpu.memory_space<vmem>>
    %dma_wait3A_266 = tpu.memref_squeeze %dma_wait3A_265 : memref<1x56x64xf32, #tpu.memory_space<vmem>> -> memref<56x64xf32, #tpu.memory_space<vmem>>
    %dma_wait3A_267 = arith.constant 0 : i32
    %dma_wait3A_268 = tpu.memref_slice %arg5[%dma_wait3A_261, %dma_wait3A_267] : memref<512x64xi32, #tpu.memory_space<vmem>> -> memref<1x56xi32, #tpu.memory_space<vmem>>
    %dma_wait3A_269 = tpu.memref_squeeze %dma_wait3A_268 : memref<1x56xi32, #tpu.memory_space<vmem>> -> memref<56xi32, #tpu.memory_space<vmem>>
    %dma_wait3A_270 = arith.constant 0 : i32
    %dma_wait3A_271 = arith.constant 0 : i32
    %dma_wait3A_272 = tpu.memref_slice %arg2[%dma_wait3A_270, %dma_wait3A_271] : memref<1000000x64xf32, #tpu.memory_space<hbm>> -> memref<1000000x64xf32, #tpu.memory_space<hbm>>
    tpu.wait_indirect_dma semaphore(%arg8 : memref<!tpu.dma_semaphore, #tpu.memory_space<semaphore_mem>>) src(%dma_wait3A_272 : memref<1000000x64xf32, #tpu.memory_space<hbm>>) dst(%dma_wait3A_266 : memref<56x64xf32, #tpu.memory_space<vmem>>)
    %dma_wait3A_273 = arith.constant 0 : i32
    %dma_wait3A_274 = arith.constant 5 : i32
    %dma_wait3A_275 = arith.constant 0 : i32
    %dma_wait3A_276 = arith.constant 0 : i32
    %dma_wait3A_277 = tpu.memref_slice %arg6[%dma_wait3A_274, %dma_wait3A_275, %dma_wait3A_276] : memref<8x56x64xf32, #tpu.memory_space<vmem>> -> memref<1x56x64xf32, #tpu.memory_space<vmem>>
    %dma_wait3A_278 = tpu.memref_squeeze %dma_wait3A_277 : memref<1x56x64xf32, #tpu.memory_space<vmem>> -> memref<56x64xf32, #tpu.memory_space<vmem>>
    %dma_wait3A_279 = arith.constant 0 : i32
    %dma_wait3A_280 = tpu.memref_slice %arg5[%dma_wait3A_273, %dma_wait3A_279] : memref<512x64xi32, #tpu.memory_space<vmem>> -> memref<1x56xi32, #tpu.memory_space<vmem>>
    %dma_wait3A_281 = tpu.memref_squeeze %dma_wait3A_280 : memref<1x56xi32, #tpu.memory_space<vmem>> -> memref<56xi32, #tpu.memory_space<vmem>>
    %dma_wait3A_282 = arith.constant 0 : i32
    %dma_wait3A_283 = arith.constant 0 : i32
    %dma_wait3A_284 = tpu.memref_slice %arg2[%dma_wait3A_282, %dma_wait3A_283] : memref<1000000x64xf32, #tpu.memory_space<hbm>> -> memref<1000000x64xf32, #tpu.memory_space<hbm>>
    tpu.wait_indirect_dma semaphore(%arg8 : memref<!tpu.dma_semaphore, #tpu.memory_space<semaphore_mem>>) src(%dma_wait3A_284 : memref<1000000x64xf32, #tpu.memory_space<hbm>>) dst(%dma_wait3A_278 : memref<56x64xf32, #tpu.memory_space<vmem>>)
    %dma_wait3A_285 = arith.constant 0 : i32
    %dma_wait3A_286 = arith.constant 6 : i32
    %dma_wait3A_287 = arith.constant 0 : i32
    %dma_wait3A_288 = arith.constant 0 : i32
    %dma_wait3A_289 = tpu.memref_slice %arg6[%dma_wait3A_286, %dma_wait3A_287, %dma_wait3A_288] : memref<8x56x64xf32, #tpu.memory_space<vmem>> -> memref<1x56x64xf32, #tpu.memory_space<vmem>>
    %dma_wait3A_290 = tpu.memref_squeeze %dma_wait3A_289 : memref<1x56x64xf32, #tpu.memory_space<vmem>> -> memref<56x64xf32, #tpu.memory_space<vmem>>
    %dma_wait3A_291 = arith.constant 0 : i32
    %dma_wait3A_292 = tpu.memref_slice %arg5[%dma_wait3A_285, %dma_wait3A_291] : memref<512x64xi32, #tpu.memory_space<vmem>> -> memref<1x56xi32, #tpu.memory_space<vmem>>
    %dma_wait3A_293 = tpu.memref_squeeze %dma_wait3A_292 : memref<1x56xi32, #tpu.memory_space<vmem>> -> memref<56xi32, #tpu.memory_space<vmem>>
    %dma_wait3A_294 = arith.constant 0 : i32
    %dma_wait3A_295 = arith.constant 0 : i32
    %dma_wait3A_296 = tpu.memref_slice %arg2[%dma_wait3A_294, %dma_wait3A_295] : memref<1000000x64xf32, #tpu.memory_space<hbm>> -> memref<1000000x64xf32, #tpu.memory_space<hbm>>
    tpu.wait_indirect_dma semaphore(%arg8 : memref<!tpu.dma_semaphore, #tpu.memory_space<semaphore_mem>>) src(%dma_wait3A_296 : memref<1000000x64xf32, #tpu.memory_space<hbm>>) dst(%dma_wait3A_290 : memref<56x64xf32, #tpu.memory_space<vmem>>)
    %dma_wait3A_297 = arith.constant 0 : i32
    %dma_wait3A_298 = arith.constant 7 : i32
    %dma_wait3A_299 = arith.constant 0 : i32
    %dma_wait3A_300 = arith.constant 0 : i32
    %dma_wait3A_301 = tpu.memref_slice %arg6[%dma_wait3A_298, %dma_wait3A_299, %dma_wait3A_300] : memref<8x56x64xf32, #tpu.memory_space<vmem>> -> memref<1x56x64xf32, #tpu.memory_space<vmem>>
    %dma_wait3A_302 = tpu.memref_squeeze %dma_wait3A_301 : memref<1x56x64xf32, #tpu.memory_space<vmem>> -> memref<56x64xf32, #tpu.memory_space<vmem>>
    %dma_wait3A_303 = arith.constant 0 : i32
    %dma_wait3A_304 = tpu.memref_slice %arg5[%dma_wait3A_297, %dma_wait3A_303] : memref<512x64xi32, #tpu.memory_space<vmem>> -> memref<1x56xi32, #tpu.memory_space<vmem>>
    %dma_wait3A_305 = tpu.memref_squeeze %dma_wait3A_304 : memref<1x56xi32, #tpu.memory_space<vmem>> -> memref<56xi32, #tpu.memory_space<vmem>>
    %dma_wait3A_306 = arith.constant 0 : i32
    %dma_wait3A_307 = arith.constant 0 : i32
    %dma_wait3A_308 = tpu.memref_slice %arg2[%dma_wait3A_306, %dma_wait3A_307] : memref<1000000x64xf32, #tpu.memory_space<hbm>> -> memref<1000000x64xf32, #tpu.memory_space<hbm>>
    tpu.wait_indirect_dma semaphore(%arg8 : memref<!tpu.dma_semaphore, #tpu.memory_space<semaphore_mem>>) src(%dma_wait3A_308 : memref<1000000x64xf32, #tpu.memory_space<hbm>>) dst(%dma_wait3A_302 : memref<56x64xf32, #tpu.memory_space<vmem>>)
    %add3A_309 = arith.constant 496 : i32
    %add3A_310 = arith.addi %mul3A_2, %add3A_309 : i32
    %dma_start3A_311 = arith.constant 0 : i32
    %dma_start3A_312 = arith.constant 0 : i32
    %dma_start3A_313 = arith.constant 0 : i32
    %dma_start3A_314 = tpu.memref_slice %arg6[%dma_start3A_311, %dma_start3A_312, %dma_start3A_313] : memref<8x56x64xf32, #tpu.memory_space<vmem>> -> memref<8x50x64xf32, #tpu.memory_space<vmem>>
    %dma_start3A_315 = arith.constant 0 : i32
    %dma_start3A_316 = arith.constant 0 : i32
    %dma_start3A_317 = tpu.memref_slice %arg4[%add3A_310, %dma_start3A_315, %dma_start3A_316] : memref<16384x50x64xf32, #tpu.memory_space<hbm>> -> memref<8x50x64xf32, #tpu.memory_space<hbm>>
    %dma_start3A_318 = arith.constant 0 : i32
    %dma_start3A_319 = arith.constant 0 : i32
    %dma_start3A_320 = tpu.memref_slice %arg4[%add3A_310, %dma_start3A_318, %dma_start3A_319] : memref<16384x50x64xf32, #tpu.memory_space<hbm>> -> memref<8x50x64xf32, #tpu.memory_space<hbm>>
    %dma_start3A_321 = arith.constant 0 : i32
    %dma_start3A_322 = arith.constant 0 : i32
    %dma_start3A_323 = arith.constant 0 : i32
    %dma_start3A_324 = tpu.memref_slice %arg6[%dma_start3A_321, %dma_start3A_322, %dma_start3A_323] : memref<8x56x64xf32, #tpu.memory_space<vmem>> -> memref<8x50x64xf32, #tpu.memory_space<vmem>>
    tpu.enqueue_dma source(%dma_start3A_324 : memref<8x50x64xf32, #tpu.memory_space<vmem>>) target(%dma_start3A_320 : memref<8x50x64xf32, #tpu.memory_space<hbm>>) target_semaphore(%arg10 : memref<!tpu.dma_semaphore, #tpu.memory_space<semaphore_mem>>)
    %dma_wait3A_325 = arith.constant 0 : i32
    %dma_wait3A_326 = arith.constant 0 : i32
    %dma_wait3A_327 = arith.constant 0 : i32
    %dma_wait3A_328 = arith.constant 0 : i32
    %dma_wait3A_329 = tpu.memref_slice %arg7[%dma_wait3A_326, %dma_wait3A_327, %dma_wait3A_328] : memref<8x56x64xf32, #tpu.memory_space<vmem>> -> memref<1x56x64xf32, #tpu.memory_space<vmem>>
    %dma_wait3A_330 = tpu.memref_squeeze %dma_wait3A_329 : memref<1x56x64xf32, #tpu.memory_space<vmem>> -> memref<56x64xf32, #tpu.memory_space<vmem>>
    %dma_wait3A_331 = arith.constant 0 : i32
    %dma_wait3A_332 = tpu.memref_slice %arg5[%dma_wait3A_325, %dma_wait3A_331] : memref<512x64xi32, #tpu.memory_space<vmem>> -> memref<1x56xi32, #tpu.memory_space<vmem>>
    %dma_wait3A_333 = tpu.memref_squeeze %dma_wait3A_332 : memref<1x56xi32, #tpu.memory_space<vmem>> -> memref<56xi32, #tpu.memory_space<vmem>>
    %dma_wait3A_334 = arith.constant 0 : i32
    %dma_wait3A_335 = arith.constant 0 : i32
    %dma_wait3A_336 = tpu.memref_slice %arg2[%dma_wait3A_334, %dma_wait3A_335] : memref<1000000x64xf32, #tpu.memory_space<hbm>> -> memref<1000000x64xf32, #tpu.memory_space<hbm>>
    tpu.wait_indirect_dma semaphore(%arg9 : memref<!tpu.dma_semaphore, #tpu.memory_space<semaphore_mem>>) src(%dma_wait3A_336 : memref<1000000x64xf32, #tpu.memory_space<hbm>>) dst(%dma_wait3A_330 : memref<56x64xf32, #tpu.memory_space<vmem>>)
    %dma_wait3A_337 = arith.constant 0 : i32
    %dma_wait3A_338 = arith.constant 1 : i32
    %dma_wait3A_339 = arith.constant 0 : i32
    %dma_wait3A_340 = arith.constant 0 : i32
    %dma_wait3A_341 = tpu.memref_slice %arg7[%dma_wait3A_338, %dma_wait3A_339, %dma_wait3A_340] : memref<8x56x64xf32, #tpu.memory_space<vmem>> -> memref<1x56x64xf32, #tpu.memory_space<vmem>>
    %dma_wait3A_342 = tpu.memref_squeeze %dma_wait3A_341 : memref<1x56x64xf32, #tpu.memory_space<vmem>> -> memref<56x64xf32, #tpu.memory_space<vmem>>
    %dma_wait3A_343 = arith.constant 0 : i32
    %dma_wait3A_344 = tpu.memref_slice %arg5[%dma_wait3A_337, %dma_wait3A_343] : memref<512x64xi32, #tpu.memory_space<vmem>> -> memref<1x56xi32, #tpu.memory_space<vmem>>
    %dma_wait3A_345 = tpu.memref_squeeze %dma_wait3A_344 : memref<1x56xi32, #tpu.memory_space<vmem>> -> memref<56xi32, #tpu.memory_space<vmem>>
    %dma_wait3A_346 = arith.constant 0 : i32
    %dma_wait3A_347 = arith.constant 0 : i32
    %dma_wait3A_348 = tpu.memref_slice %arg2[%dma_wait3A_346, %dma_wait3A_347] : memref<1000000x64xf32, #tpu.memory_space<hbm>> -> memref<1000000x64xf32, #tpu.memory_space<hbm>>
    tpu.wait_indirect_dma semaphore(%arg9 : memref<!tpu.dma_semaphore, #tpu.memory_space<semaphore_mem>>) src(%dma_wait3A_348 : memref<1000000x64xf32, #tpu.memory_space<hbm>>) dst(%dma_wait3A_342 : memref<56x64xf32, #tpu.memory_space<vmem>>)
    %dma_wait3A_349 = arith.constant 0 : i32
    %dma_wait3A_350 = arith.constant 2 : i32
    %dma_wait3A_351 = arith.constant 0 : i32
    %dma_wait3A_352 = arith.constant 0 : i32
    %dma_wait3A_353 = tpu.memref_slice %arg7[%dma_wait3A_350, %dma_wait3A_351, %dma_wait3A_352] : memref<8x56x64xf32, #tpu.memory_space<vmem>> -> memref<1x56x64xf32, #tpu.memory_space<vmem>>
    %dma_wait3A_354 = tpu.memref_squeeze %dma_wait3A_353 : memref<1x56x64xf32, #tpu.memory_space<vmem>> -> memref<56x64xf32, #tpu.memory_space<vmem>>
    %dma_wait3A_355 = arith.constant 0 : i32
    %dma_wait3A_356 = tpu.memref_slice %arg5[%dma_wait3A_349, %dma_wait3A_355] : memref<512x64xi32, #tpu.memory_space<vmem>> -> memref<1x56xi32, #tpu.memory_space<vmem>>
    %dma_wait3A_357 = tpu.memref_squeeze %dma_wait3A_356 : memref<1x56xi32, #tpu.memory_space<vmem>> -> memref<56xi32, #tpu.memory_space<vmem>>
    %dma_wait3A_358 = arith.constant 0 : i32
    %dma_wait3A_359 = arith.constant 0 : i32
    %dma_wait3A_360 = tpu.memref_slice %arg2[%dma_wait3A_358, %dma_wait3A_359] : memref<1000000x64xf32, #tpu.memory_space<hbm>> -> memref<1000000x64xf32, #tpu.memory_space<hbm>>
    tpu.wait_indirect_dma semaphore(%arg9 : memref<!tpu.dma_semaphore, #tpu.memory_space<semaphore_mem>>) src(%dma_wait3A_360 : memref<1000000x64xf32, #tpu.memory_space<hbm>>) dst(%dma_wait3A_354 : memref<56x64xf32, #tpu.memory_space<vmem>>)
    %dma_wait3A_361 = arith.constant 0 : i32
    %dma_wait3A_362 = arith.constant 3 : i32
    %dma_wait3A_363 = arith.constant 0 : i32
    %dma_wait3A_364 = arith.constant 0 : i32
    %dma_wait3A_365 = tpu.memref_slice %arg7[%dma_wait3A_362, %dma_wait3A_363, %dma_wait3A_364] : memref<8x56x64xf32, #tpu.memory_space<vmem>> -> memref<1x56x64xf32, #tpu.memory_space<vmem>>
    %dma_wait3A_366 = tpu.memref_squeeze %dma_wait3A_365 : memref<1x56x64xf32, #tpu.memory_space<vmem>> -> memref<56x64xf32, #tpu.memory_space<vmem>>
    %dma_wait3A_367 = arith.constant 0 : i32
    %dma_wait3A_368 = tpu.memref_slice %arg5[%dma_wait3A_361, %dma_wait3A_367] : memref<512x64xi32, #tpu.memory_space<vmem>> -> memref<1x56xi32, #tpu.memory_space<vmem>>
    %dma_wait3A_369 = tpu.memref_squeeze %dma_wait3A_368 : memref<1x56xi32, #tpu.memory_space<vmem>> -> memref<56xi32, #tpu.memory_space<vmem>>
    %dma_wait3A_370 = arith.constant 0 : i32
    %dma_wait3A_371 = arith.constant 0 : i32
    %dma_wait3A_372 = tpu.memref_slice %arg2[%dma_wait3A_370, %dma_wait3A_371] : memref<1000000x64xf32, #tpu.memory_space<hbm>> -> memref<1000000x64xf32, #tpu.memory_space<hbm>>
    tpu.wait_indirect_dma semaphore(%arg9 : memref<!tpu.dma_semaphore, #tpu.memory_space<semaphore_mem>>) src(%dma_wait3A_372 : memref<1000000x64xf32, #tpu.memory_space<hbm>>) dst(%dma_wait3A_366 : memref<56x64xf32, #tpu.memory_space<vmem>>)
    %dma_wait3A_373 = arith.constant 0 : i32
    %dma_wait3A_374 = arith.constant 4 : i32
    %dma_wait3A_375 = arith.constant 0 : i32
    %dma_wait3A_376 = arith.constant 0 : i32
    %dma_wait3A_377 = tpu.memref_slice %arg7[%dma_wait3A_374, %dma_wait3A_375, %dma_wait3A_376] : memref<8x56x64xf32, #tpu.memory_space<vmem>> -> memref<1x56x64xf32, #tpu.memory_space<vmem>>
    %dma_wait3A_378 = tpu.memref_squeeze %dma_wait3A_377 : memref<1x56x64xf32, #tpu.memory_space<vmem>> -> memref<56x64xf32, #tpu.memory_space<vmem>>
    %dma_wait3A_379 = arith.constant 0 : i32
    %dma_wait3A_380 = tpu.memref_slice %arg5[%dma_wait3A_373, %dma_wait3A_379] : memref<512x64xi32, #tpu.memory_space<vmem>> -> memref<1x56xi32, #tpu.memory_space<vmem>>
    %dma_wait3A_381 = tpu.memref_squeeze %dma_wait3A_380 : memref<1x56xi32, #tpu.memory_space<vmem>> -> memref<56xi32, #tpu.memory_space<vmem>>
    %dma_wait3A_382 = arith.constant 0 : i32
    %dma_wait3A_383 = arith.constant 0 : i32
    %dma_wait3A_384 = tpu.memref_slice %arg2[%dma_wait3A_382, %dma_wait3A_383] : memref<1000000x64xf32, #tpu.memory_space<hbm>> -> memref<1000000x64xf32, #tpu.memory_space<hbm>>
    tpu.wait_indirect_dma semaphore(%arg9 : memref<!tpu.dma_semaphore, #tpu.memory_space<semaphore_mem>>) src(%dma_wait3A_384 : memref<1000000x64xf32, #tpu.memory_space<hbm>>) dst(%dma_wait3A_378 : memref<56x64xf32, #tpu.memory_space<vmem>>)
    %dma_wait3A_385 = arith.constant 0 : i32
    %dma_wait3A_386 = arith.constant 5 : i32
    %dma_wait3A_387 = arith.constant 0 : i32
    %dma_wait3A_388 = arith.constant 0 : i32
    %dma_wait3A_389 = tpu.memref_slice %arg7[%dma_wait3A_386, %dma_wait3A_387, %dma_wait3A_388] : memref<8x56x64xf32, #tpu.memory_space<vmem>> -> memref<1x56x64xf32, #tpu.memory_space<vmem>>
    %dma_wait3A_390 = tpu.memref_squeeze %dma_wait3A_389 : memref<1x56x64xf32, #tpu.memory_space<vmem>> -> memref<56x64xf32, #tpu.memory_space<vmem>>
    %dma_wait3A_391 = arith.constant 0 : i32
    %dma_wait3A_392 = tpu.memref_slice %arg5[%dma_wait3A_385, %dma_wait3A_391] : memref<512x64xi32, #tpu.memory_space<vmem>> -> memref<1x56xi32, #tpu.memory_space<vmem>>
    %dma_wait3A_393 = tpu.memref_squeeze %dma_wait3A_392 : memref<1x56xi32, #tpu.memory_space<vmem>> -> memref<56xi32, #tpu.memory_space<vmem>>
    %dma_wait3A_394 = arith.constant 0 : i32
    %dma_wait3A_395 = arith.constant 0 : i32
    %dma_wait3A_396 = tpu.memref_slice %arg2[%dma_wait3A_394, %dma_wait3A_395] : memref<1000000x64xf32, #tpu.memory_space<hbm>> -> memref<1000000x64xf32, #tpu.memory_space<hbm>>
    tpu.wait_indirect_dma semaphore(%arg9 : memref<!tpu.dma_semaphore, #tpu.memory_space<semaphore_mem>>) src(%dma_wait3A_396 : memref<1000000x64xf32, #tpu.memory_space<hbm>>) dst(%dma_wait3A_390 : memref<56x64xf32, #tpu.memory_space<vmem>>)
    %dma_wait3A_397 = arith.constant 0 : i32
    %dma_wait3A_398 = arith.constant 6 : i32
    %dma_wait3A_399 = arith.constant 0 : i32
    %dma_wait3A_400 = arith.constant 0 : i32
    %dma_wait3A_401 = tpu.memref_slice %arg7[%dma_wait3A_398, %dma_wait3A_399, %dma_wait3A_400] : memref<8x56x64xf32, #tpu.memory_space<vmem>> -> memref<1x56x64xf32, #tpu.memory_space<vmem>>
    %dma_wait3A_402 = tpu.memref_squeeze %dma_wait3A_401 : memref<1x56x64xf32, #tpu.memory_space<vmem>> -> memref<56x64xf32, #tpu.memory_space<vmem>>
    %dma_wait3A_403 = arith.constant 0 : i32
    %dma_wait3A_404 = tpu.memref_slice %arg5[%dma_wait3A_397, %dma_wait3A_403] : memref<512x64xi32, #tpu.memory_space<vmem>> -> memref<1x56xi32, #tpu.memory_space<vmem>>
    %dma_wait3A_405 = tpu.memref_squeeze %dma_wait3A_404 : memref<1x56xi32, #tpu.memory_space<vmem>> -> memref<56xi32, #tpu.memory_space<vmem>>
    %dma_wait3A_406 = arith.constant 0 : i32
    %dma_wait3A_407 = arith.constant 0 : i32
    %dma_wait3A_408 = tpu.memref_slice %arg2[%dma_wait3A_406, %dma_wait3A_407] : memref<1000000x64xf32, #tpu.memory_space<hbm>> -> memref<1000000x64xf32, #tpu.memory_space<hbm>>
    tpu.wait_indirect_dma semaphore(%arg9 : memref<!tpu.dma_semaphore, #tpu.memory_space<semaphore_mem>>) src(%dma_wait3A_408 : memref<1000000x64xf32, #tpu.memory_space<hbm>>) dst(%dma_wait3A_402 : memref<56x64xf32, #tpu.memory_space<vmem>>)
    %dma_wait3A_409 = arith.constant 0 : i32
    %dma_wait3A_410 = arith.constant 7 : i32
    %dma_wait3A_411 = arith.constant 0 : i32
    %dma_wait3A_412 = arith.constant 0 : i32
    %dma_wait3A_413 = tpu.memref_slice %arg7[%dma_wait3A_410, %dma_wait3A_411, %dma_wait3A_412] : memref<8x56x64xf32, #tpu.memory_space<vmem>> -> memref<1x56x64xf32, #tpu.memory_space<vmem>>
    %dma_wait3A_414 = tpu.memref_squeeze %dma_wait3A_413 : memref<1x56x64xf32, #tpu.memory_space<vmem>> -> memref<56x64xf32, #tpu.memory_space<vmem>>
    %dma_wait3A_415 = arith.constant 0 : i32
    %dma_wait3A_416 = tpu.memref_slice %arg5[%dma_wait3A_409, %dma_wait3A_415] : memref<512x64xi32, #tpu.memory_space<vmem>> -> memref<1x56xi32, #tpu.memory_space<vmem>>
    %dma_wait3A_417 = tpu.memref_squeeze %dma_wait3A_416 : memref<1x56xi32, #tpu.memory_space<vmem>> -> memref<56xi32, #tpu.memory_space<vmem>>
    %dma_wait3A_418 = arith.constant 0 : i32
    %dma_wait3A_419 = arith.constant 0 : i32
    %dma_wait3A_420 = tpu.memref_slice %arg2[%dma_wait3A_418, %dma_wait3A_419] : memref<1000000x64xf32, #tpu.memory_space<hbm>> -> memref<1000000x64xf32, #tpu.memory_space<hbm>>
    tpu.wait_indirect_dma semaphore(%arg9 : memref<!tpu.dma_semaphore, #tpu.memory_space<semaphore_mem>>) src(%dma_wait3A_420 : memref<1000000x64xf32, #tpu.memory_space<hbm>>) dst(%dma_wait3A_414 : memref<56x64xf32, #tpu.memory_space<vmem>>)
    %add3A_421 = arith.constant 504 : i32
    %add3A_422 = arith.addi %mul3A_2, %add3A_421 : i32
    %dma_start3A_423 = arith.constant 0 : i32
    %dma_start3A_424 = arith.constant 0 : i32
    %dma_start3A_425 = arith.constant 0 : i32
    %dma_start3A_426 = tpu.memref_slice %arg7[%dma_start3A_423, %dma_start3A_424, %dma_start3A_425] : memref<8x56x64xf32, #tpu.memory_space<vmem>> -> memref<8x50x64xf32, #tpu.memory_space<vmem>>
    %dma_start3A_427 = arith.constant 0 : i32
    %dma_start3A_428 = arith.constant 0 : i32
    %dma_start3A_429 = tpu.memref_slice %arg4[%add3A_422, %dma_start3A_427, %dma_start3A_428] : memref<16384x50x64xf32, #tpu.memory_space<hbm>> -> memref<8x50x64xf32, #tpu.memory_space<hbm>>
    %dma_start3A_430 = arith.constant 0 : i32
    %dma_start3A_431 = arith.constant 0 : i32
    %dma_start3A_432 = tpu.memref_slice %arg4[%add3A_422, %dma_start3A_430, %dma_start3A_431] : memref<16384x50x64xf32, #tpu.memory_space<hbm>> -> memref<8x50x64xf32, #tpu.memory_space<hbm>>
    %dma_start3A_433 = arith.constant 0 : i32
    %dma_start3A_434 = arith.constant 0 : i32
    %dma_start3A_435 = arith.constant 0 : i32
    %dma_start3A_436 = tpu.memref_slice %arg7[%dma_start3A_433, %dma_start3A_434, %dma_start3A_435] : memref<8x56x64xf32, #tpu.memory_space<vmem>> -> memref<8x50x64xf32, #tpu.memory_space<vmem>>
    tpu.enqueue_dma source(%dma_start3A_436 : memref<8x50x64xf32, #tpu.memory_space<vmem>>) target(%dma_start3A_432 : memref<8x50x64xf32, #tpu.memory_space<hbm>>) target_semaphore(%arg11 : memref<!tpu.dma_semaphore, #tpu.memory_space<semaphore_mem>>)
    %dma_wait3A_437 = arith.constant 0 : i32
    %dma_wait3A_438 = arith.constant 0 : i32
    %dma_wait3A_439 = arith.constant 0 : i32
    %dma_wait3A_440 = tpu.memref_slice %arg6[%dma_wait3A_437, %dma_wait3A_438, %dma_wait3A_439] : memref<8x56x64xf32, #tpu.memory_space<vmem>> -> memref<8x50x64xf32, #tpu.memory_space<vmem>>
    %dma_wait3A_441 = arith.constant 0 : i32
    %dma_wait3A_442 = arith.constant 0 : i32
    %dma_wait3A_443 = tpu.memref_slice %arg4[%mul3A_2, %dma_wait3A_441, %dma_wait3A_442] : memref<16384x50x64xf32, #tpu.memory_space<hbm>> -> memref<8x50x64xf32, #tpu.memory_space<hbm>>
    %dma_wait3A_444 = arith.constant 0 : i32
    %dma_wait3A_445 = arith.constant 0 : i32
    %dma_wait3A_446 = tpu.memref_slice %arg4[%mul3A_2, %dma_wait3A_444, %dma_wait3A_445] : memref<16384x50x64xf32, #tpu.memory_space<hbm>> -> memref<8x50x64xf32, #tpu.memory_space<hbm>>
    %dma_wait3A_447 = arith.constant 0 : i32
    %dma_wait3A_448 = arith.constant 0 : i32
    %dma_wait3A_449 = arith.constant 0 : i32
    %dma_wait3A_450 = tpu.memref_slice %arg6[%dma_wait3A_447, %dma_wait3A_448, %dma_wait3A_449] : memref<8x56x64xf32, #tpu.memory_space<vmem>> -> memref<8x50x64xf32, #tpu.memory_space<vmem>>
    tpu.wait_dma2 semaphore(%arg10 : memref<!tpu.dma_semaphore, #tpu.memory_space<semaphore_mem>>) src(%dma_wait3A_450 : memref<8x50x64xf32, #tpu.memory_space<vmem>>) dst(%dma_wait3A_446 : memref<8x50x64xf32, #tpu.memory_space<hbm>>)
    %dma_wait3A_451 = arith.constant 0 : i32
    %dma_wait3A_452 = arith.constant 0 : i32
    %dma_wait3A_453 = arith.constant 0 : i32
    %dma_wait3A_454 = tpu.memref_slice %arg7[%dma_wait3A_451, %dma_wait3A_452, %dma_wait3A_453] : memref<8x56x64xf32, #tpu.memory_space<vmem>> -> memref<8x50x64xf32, #tpu.memory_space<vmem>>
    %dma_wait3A_455 = arith.constant 0 : i32
    %dma_wait3A_456 = arith.constant 0 : i32
    %dma_wait3A_457 = tpu.memref_slice %arg4[%mul3A_2, %dma_wait3A_455, %dma_wait3A_456] : memref<16384x50x64xf32, #tpu.memory_space<hbm>> -> memref<8x50x64xf32, #tpu.memory_space<hbm>>
    %dma_wait3A_458 = arith.constant 0 : i32
    %dma_wait3A_459 = arith.constant 0 : i32
    %dma_wait3A_460 = tpu.memref_slice %arg4[%mul3A_2, %dma_wait3A_458, %dma_wait3A_459] : memref<16384x50x64xf32, #tpu.memory_space<hbm>> -> memref<8x50x64xf32, #tpu.memory_space<hbm>>
    %dma_wait3A_461 = arith.constant 0 : i32
    %dma_wait3A_462 = arith.constant 0 : i32
    %dma_wait3A_463 = arith.constant 0 : i32
    %dma_wait3A_464 = tpu.memref_slice %arg7[%dma_wait3A_461, %dma_wait3A_462, %dma_wait3A_463] : memref<8x56x64xf32, #tpu.memory_space<vmem>> -> memref<8x50x64xf32, #tpu.memory_space<vmem>>
    tpu.wait_dma2 semaphore(%arg11 : memref<!tpu.dma_semaphore, #tpu.memory_space<semaphore_mem>>) src(%dma_wait3A_464 : memref<8x50x64xf32, #tpu.memory_space<vmem>>) dst(%dma_wait3A_460 : memref<8x50x64xf32, #tpu.memory_space<hbm>>)
    return
  }
}

</mosaic_0001>

<sc_bundles>
// kernel: kernel.3.cloned.1.call-start
scs
__scs_entry_jumppad:
0x0: {  	(pc) =	sbr.rel $0x88, $3  }
0x1: {  	(tag) =	ssettag $0x0;
	lr =	simm.s32 $0x1  }
0x2: {  	[smem:$0x3F9F] =	sst lr;
	_ =	strace $0xD0000000  }
0x3: {  	_ = 	snop  }
0x4: {  	_ = 	snop  }
0x5: {  	_ = 	snop  }
0x6: {  	_ = 	snop  }
0x7: {  	_ = 	snop  }
__scs_overlays_trampoline_lowered:
0x8: {  	[smem:$0x3FAE] =	sst s0  }
0x9: {  	[smem:$0x3FAF] =	sst s1  }
0xa: {  	[smem:$0x3FB0] =	sst s2  }
0xb: {  	[smem:$0x3FB1] =	sst s3  }
0xc: {  	[smem:$0x3FB2] =	sst s4  }
0xd: {  	[smem:$0x3FB3] =	sst s5  }
0xe: {  	[smem:$0x3FB4] =	sst s6  }
0xf: {  	[smem:$0x3FB5] =	sst s7  }
0x10: {  	[smem:$0x3FB6] =	sst s8  }
0x11: {  	[smem:$0x3FB7] =	sst s9;
	s0 =	simm.s32 @!p0 $0x0  }
0x12: {  	s1 =	sld [smem:$0x3F9D];
	s0 =	simm.s32 @p0 $0x1  }
0x13: {  	[smem:$0x3FB8] =	sst s0;
	s0 =	simm.s32 @!p1 $0x0  }
0x14: {  	s2 =	sld [smem:$0x3F9C];
	s0 =	simm.s32 @p1 $0x1  }
0x15: {  	[smem:$0x3FB9] =	sst s0;
	s0 =	simm.s32 @!p2 $0x0  }
0x16: {  	s3 =	sld [smem:$0x3FDB];
	s0 =	simm.s32 @p2 $0x1  }
0x17: {  	s4 =	simm.s32 $0x1BF5;
	[smem:$0x3FBB] =	sst s0  }
0x18: {  	s0 =	sld [smem:$0x3F9E];
	_ =	swait.ge [sflag:s4], $0x0  }
0x19: {  	s7 =	sld [smem:$0x3F9F]  }
0x1a: {  	s8 =	sadd.s32 $0xFFFFE003, lr  }
0x1b: {  	s9 =	sadd.s32 $0xFFFFFEF7, lr;
	s5 =	simm.s32 $0xFFFFFFFF;
	p2 =	slt.u32 s8, $0xFFFFF086  }
0x1c: {  	p1 =	slt.u32 s9, $0xF7A;
	s5 =	simm.s32 @!p2 $0x0  }
0x1d: {  	s5 =	simm.s32 @p1 $0x1;
	p0 =	seq.s32 s7, s2  }
0x1e: {  	s7 =	smul.u32 @!p0 $0xF7A, s2;
	p2 =	seq.s32 @!p0 s5, $0x0  }
0x1f: {  	s9 =	smul.u32 $0xF7A, s1;
	s8 =	simm.s32 @!p0 $0x1BF5;
	p2 =	por !p2, p0  }
0x20: {  	[sflag:s8] =	ssyncset.s32 @!p0 $0xFFFFF086;
	s6 =	sadd.s32 @!p0 s3, s7;
	s7 =	simm.s32 @!p0 $0x108  }
0x21: {  	s3 =	sadd.s32 s3, s9;
	s6 =	sadd.s32 @!p0 $0x88, s6;
	s7 =	simm.s32 @p2 $0x1082  }
0x22: {  	[simem:s7], [sflag:s8] =	dma.local @!p0 [hbm:s6], $0xF7A  }
0x23: {  	s9 =	sor.u32 $0xD0000000, s2;
	s6 =	simm.s32 $0x108;
	_ =	swait.ge @!p0 [sflag:s8], $0x0  }
0x24: {  	s3 =	sadd.s32 $0x88, s3;
	s6 =	simm.s32 @!p1 $0x1082;
	[sflag:s4] =	ssyncset.s32 $0xFFFFF086  }
0x25: {  	[simem:s6], [sflag:s4] =	dma.local [hbm:s3], $0xF7A  }
0x26: {  	[smem:$0x3F9F] =	sst s1;
	(tag) =	ssettag s2;
	_ =	strace s9  }
0x27: {  	s1 =	sld [smem:$0x3FAF]  }
0x28: {  	s2 =	sld [smem:$0x3FB0]  }
0x29: {  	s4 =	sld [smem:$0x3FB2]  }
0x2a: {  	p0 =	seq.s32 s5, $0x0;
	s5 =	sld [smem:$0x3FB3]  }
0x2b: {  	s6 =	sld [smem:$0x3FB4]  }
0x2c: {  	s7 =	sld [smem:$0x3FB5]  }
0x2d: {  	s3 =	simm.s32 $0x108;
	s8 =	sld [smem:$0x3FB6]  }
0x2e: {  	s3 =	simm.s32 @!p0 $0x1082;
	s9 =	sld [smem:$0x3FB7]  }
0x2f: {  	lr =	sadd.s32 s0, s3;
	s0 =	sld [smem:$0x3FAE]  }
0x30: {  	s3 =	sld [smem:$0x3FB1]  }
0x31: {  	[smem:$0x3FBA] =	sst s10  }
0x32: {  	s10 =	sld [smem:$0x3FB8];
	_ =	sdelay $0x3  }
0x33: {  	p0 =	seq.s32 s10, $0x1;
	s10 =	sld [smem:$0x3FBA];
	_ =	sdelay $0x3  }
0x34: {  	[smem:$0x3FBA] =	sst s10  }
0x35: {  	s10 =	sld [smem:$0x3FB9];
	_ =	sdelay $0x3  }
0x36: {  	p1 =	seq.s32 s10, $0x1;
	s10 =	sld [smem:$0x3FBA];
	_ =	sdelay $0x3  }
0x37: {  	[smem:$0x3FBA] =	sst s10  }
0x38: {  	s10 =	sld [smem:$0x3FBB]  }
0x39: {  	_ = 	snop;
	(pc) =	sbr.ind lr, $3  }
0x3a: {  	_ = 	snop  }
0x3b: {  	_ = 	snop  }
0x3c: {  	p2 =	seq.s32 s10, $0x1;
	s10 =	sld [smem:$0x3FBA]  }
0x3d: {  	_ =	shalt  }
0x3e: {  	_ =	shalt  }
0x3f: {  	_ =	shalt  }
0x40: {  	_ =	shalt  }
0x41: {  	_ =	shalt  }
0x42: {  	_ =	shalt  }
0x43: {  	_ =	shalt  }
0x44: {  	_ =	shalt  }
0x45: {  	_ =	shalt  }
0x46: {  	_ =	shalt  }
0x47: {  	_ =	shalt  }
0x48: {  	_ =	shalt  }
0x49: {  	_ =	shalt  }
0x4a: {  	_ =	shalt  }
0x4b: {  	_ =	shalt  }
0x4c: {  	_ =	shalt  }
0x4d: {  	_ =	shalt  }
0x4e: {  	_ =	shalt  }
0x4f: {  	_ =	shalt  }
0x50: {  	_ =	shalt  }
0x51: {  	_ =	shalt  }
0x52: {  	_ =	shalt  }
0x53: {  	_ =	shalt  }
0x54: {  	_ =	shalt  }
0x55: {  	_ =	shalt  }
0x56: {  	_ =	shalt  }
0x57: {  	_ =	shalt  }
0x58: {  	_ =	shalt  }
0x59: {  	_ =	shalt  }
0x5a: {  	_ =	shalt  }
0x5b: {  	_ =	shalt  }
0x5c: {  	_ =	shalt  }
0x5d: {  	_ =	shalt  }
0x5e: {  	_ =	shalt  }
0x5f: {  	_ =	shalt  }
0x60: {  	_ =	shalt  }
0x61: {  	_ =	shalt  }
0x62: {  	_ =	shalt  }
0x63: {  	_ =	shalt  }
0x64: {  	_ =	shalt  }
0x65: {  	_ =	shalt  }
0x66: {  	_ =	shalt  }
0x67: {  	_ =	shalt  }
0x68: {  	_ =	shalt  }
0x69: {  	_ =	shalt  }
0x6a: {  	_ =	shalt  }
0x6b: {  	_ =	shalt  }
0x6c: {  	_ =	shalt  }
0x6d: {  	_ =	shalt  }
0x6e: {  	_ =	shalt  }
0x6f: {  	_ =	shalt  }
0x70: {  	_ =	shalt  }
0x71: {  	_ =	shalt  }
0x72: {  	_ =	shalt  }
0x73: {  	_ =	shalt  }
0x74: {  	_ =	shalt  }
0x75: {  	_ =	shalt  }
0x76: {  	_ =	shalt  }
0x77: {  	_ =	shalt  }
0x78: {  	_ =	shalt  }
0x79: {  	_ =	shalt  }
0x7a: {  	_ =	shalt  }
0x7b: {  	_ =	shalt  }
0x7c: {  	_ =	shalt  }
0x7d: {  	_ =	shalt  }
0x7e: {  	_ =	shalt  }
0x7f: {  	_ =	shalt  }
0x80: {  	_ =	shalt  }
0x81: {  	_ =	shalt  }
0x82: {  	_ =	shalt  }
0x83: {  	_ =	shalt  }
0x84: {  	_ =	shalt  }
0x85: {  	_ =	shalt  }
0x86: {  	_ =	shalt  }
0x87: {  	_ =	shalt  }
.Lfunc_end0:
.L_simem_size_0:
called_computation.1_lowered:
.L_overlay_start_0:
0x88: {  	s2 =	sld [smem:$0x3FD9]  }
0x89: {  	s3 =	sld [smem:$0x3FFE];
	_ =	sdelay $0x1  }
0x8a: {  	s1 =	srdreg.scid  }
0x8b: {  	s0 =	sand.u32 $0x1, s1  }
0x8c: {  	s17 =	sshll.u32 s0, $0xA;
	s2 =	sadd.s32 s3, s2  }
0x8d: {  	s2 =	sadd.s32 s2, s17  }
0x8e: {  	[smem:$0x3FC6] =	sst s2  }
0x8f: {  	_ = 	snop  }
0x90: {  	s2 =	sld [smem:$0x3FD0];
	(tm) =	ssettm $0x1  }
0x91: {  	s18 =	sld [smem:$0x3FFB];
	_ =	sdelay $0x3  }
0x92: {  	_ =	strace s18  }
0x93: {  	s3 =	sld [smem:$0x3FFC];
	_ =	sdelay $0x3  }
0x94: {  	_ =	strace s3  }
0x95: {  	s3 =	sld [smem:$0x3FFD];
	_ =	sdelay $0x3  }
0x96: {  	_ =	strace s3  }
0x97: {  	_ =	strace $0x8FFFFFFF  }
0x98: {  	s19 =	sld [smem:$0x3FDB];
	_ =	sdelay $0x1  }
0x99: {  	s4 =	simm.s32 $_scs_section_size  }
0x9a: {  	s5 =	simm.s32 $_size__tile_overlayer_lowered;
	s6 =	simm.s32 $_tile_overlayer_lowered  }
0x9b: {  	s22 =	simm.s32 $0x1BFF;
	s21 =	sshll.u32 s6, $0x1;
	s3 =	sadd.s32 s4, s19  }
0x9c: {  	s7 =	simm.s32 $0x0;
	s20 =	sshll.u32 s5, $0x1;
	s5 =	sadd.s32 s21, s3  }
0x9d: {  	[timem:s7], [sflag:s22] =	dma.local [hbm:s5], s20  }
0x9e: {  	_ =	swait.ge [sflag:s22], s20  }
0x9f: {  	s4 =	ssub.s32 $0x0, s20;
	[sflag:s22] =	ssyncset.done $0x0  }
0xa0: {  	[sflag:s22] =	ssyncadd.s32 s4;
	_ =	sdelay $0x1  }
0xa1: {  	s23 =	simm.s32 $0x1B8B  }
0xa2: {  	_ =	swait.ge [sflag:s23], $0x1  }
0xa3: {  	[sflag:s23] =	ssyncset.done $0x0  }
0xa4: {  	s25 =	simm.s32 $0x1B8E;
	s24 =	sld [smem:$0x3FFE];
	[sflag:s23] =	ssyncadd.s32 $0xFFFFFFFF  }
0xa5: {  	s26 =	simm.s32 $execute0_lowered;
	[smem:$0x3FD2] =	sst s25  }
0xa6: {  	s5 =	sshll.u32 s26, $0x1;
	_ =	strace $0x80000046;
	[dreg:$0x1] =	wrdreg $0xFFFFFFFF  }
0xa7: {  	s28 =	simm.s32 $_size_execute0_lowered;
	s3 =	sadd.s32 s3, s5;
	[dreg:$0x0] =	wrdreg $0x0  }
0xa8: {  	s5 =	sshll.u32 s28, $0x1;
	[dreg:$0x2] =	wrdreg s3  }
0xa9: {  	[dreg:$0x3] =	wrdreg s5  }
0xaa: {  	[dreg:$0x4] =	wrdreg $0xC0  }
0xab: {  	_ =	task [dreg:s7], $0x5FFFF  }
0xac: {  	[dreg:$0x1] =	wrdreg $0xFFFFFFFF  }
0xad: {  	[dreg:$0x0] =	wrdreg $0x60  }
0xae: {  	[dreg:$0x2] =	wrdreg s24  }
0xaf: {  	[dreg:$0x3] =	wrdreg s2  }
0xb0: {  	[dreg:$0x4] =	wrdreg $0x9  }
0xb1: {  	_ =	task.clear_ibuf [dreg:s7], $0x5FFFF;
	_ =	strace $0x90000046  }
0xb2: {  	s29 =	simm.s32 $0x9;
	_ =	strace $0x80000048  }
0xb3: {  	_ =	swait.ge [sflag:s29], $0x1  }
0xb4: {  	[sflag:s29] =	ssyncadd.s32 $0xFFFFFFFF  }
0xb5: {  	_ =	strace $0x90000048  }
0xb6: {  	_ =	sfence  }
0xb7: {  	s30 =	sld [smem:$0x0];
	_ =	sdelay $0x2  }
0xb8: {  	s31 =	sshll.u32 s1, $0xD;
	s1 =	sshrl.u32 s1, $0x2  }
0xb9: {  	s3 =	sand.u32 $0x4000, s31;
	s1 =	sadd.s32 s1, s30  }
0xba: {  	s0 =	sor.u32 s3, s0;
	s1 =	sshll.u32 s1, $0x11  }
0xbb: {  	s0 =	sor.u32 s1, s0  }
0xbc: {  	s0 =	sadd.s32 $0x8F2B, s0  }
0xbd: {  	[sflag:s0] =	ssyncadd.remote.s32 $0x1  }
0xbe: {  	_ =	sfence.sel $0xFFFF  }
0xbf: {  	[dreg:$0x0] =	wrdreg $0xFFFFFFFF;
	(pc) =	sbr.abs _section_cstart, $3  }
0xc0: {  	[dreg:$0x1] =	wrdreg $0xFFFFFFFF  }
0xc1: {  	_ =	task.clear_ibuf [dreg:s7], $0x2FFFF;
	_ =	strace $0x9FFFFFFF  }
0xc2: {  	(tm) =	ssettm $0x7FFFFFFF  }
0xc3: {  	_ =	shalt  }
tec
execute0_lowered:
.L_overlay_start_1:
0x0: {  	(tag) =	ssettag $0x1  }
0x1: {  	s0 =	rddreg [dreg:$0x0]  }
0x2: {  	s1 =	rddreg [dreg:$0x1]  }
0x3: {  	s2 =	srdreg.scid;
	s8 =	stileid.u32  }
0x4: {  	s12 =	simm.s32 $0x38;
	s13 =	simm.s32 $0x8000;
	s14 =	simm.s32 $0x8E00  }
0x5: {  	s15 =	simm.s32 $0x9C00;
	s17 =	simm.s32 $0xAA00;
	s19 =	simm.s32 $0xB800  }
0x6: {  	s21 =	simm.s32 $0xC600;
	s23 =	simm.s32 $0xD400;
	s28 =	simm.s32 $0xF000  }
0x7: {  	s30 =	simm.s32 $0xFE00;
	s16 =	simm.s32 $0x11A00;
	s20 =	simm.s32 $0x12800  }
0x8: {  	s29 =	simm.s32 $0x14400;
	s18 =	simm.s32 $0x1;
	s22 =	simm.s32 $0x2  }
0x9: {  	s31 =	simm.s32 $0x4;
	s9 =	simm.s32 $0x0;
	s4 =	sand.u32 $0x1, s2  }
0xa: {  	s2 =	simm.s32 $0x0;
	s3 =	sshll.u32 s8, $0xA;
	s8 =	smul.u32 $0x64000, s8  }
0xb: {  	s5 =	sshll.u32 s4, $0x9;
	[smem:$0x7FF] =	sst s2;
	s7 =	ssub.s32 $0x2, s4  }
0xc: {  	s25 =	smul.u32 $0x32000, s4;
	s5 =	sor.u32 s5, s3;
	_ =	strace $0x80000047  }
0xd: {  	s3 =	sadd.s32 $0xF42E00, s0;
	s24 =	sshrl.u32 s7, $0x1;
	s6 =	smul.u32 $0xC80, s5  }
0xe: {  	s5 =	sshll.u32 s5, $0x4;
	s7 =	ssub.s32 s7, s24;
	s24 =	simm.s32 $0x13600  }
0xf: {  	s0 =	sadd.s32 s5, s0;
	s26 =	smax.u32 s7, $0x1;
	s6 =	sshrl.u32 s6, $0x3  }
0x10: {  	s0 =	sadd.s32 $0xA00, s0;
	[dreg:$0x4] =	wrdreg s26;
	s26 =	simm.s32 $0x3  }
0x11: {  	s6 =	sadd.s32 s1, s6;
	[dreg:$0x3] =	wrdreg s0;
	s1 =	sadd.s32 s8, s1  }
0x12: {  	s0 =	simm.s32 $0x10C00;
	s5 =	sadd.s32 $0x30700, s6;
	s6 =	sadd.s32 $0x31380, s6  }
0x13: {  	s8 =	sadd.s32 s25, s1;
	s25 =	simm.s32 $0xE200;
	s1 =	simm.s32 $0x15200  }
.LBB2_1:
0x14: {  	s4 =	rddreg [dreg:$0x3]  }
0x15: {  	s7 =	simm.s32 $0x40;
	s10 =	simm.s32 $0x80;
	s11 =	simm.s32 $0x5  }
0x16: {  	[tilespmem:s2], [sflag:$0x5] =	stream.strided.gather [hbm4b:s4+s7], $0x8000, s10, s7, $0x38;
	[tilespmem:$0x16000] =	vst v63  }
0x17: {  	_ =	swait.ge [sflag:s11], $0x8000  }
0x18: {  	[sflag:s11] =	ssyncset.done $0x0  }
0x19: {  	[sflag:s11] =	ssyncadd.s32 $0xFFFF8000;
	(ifvalue) =	ssetifvalue $0x40000000  }
0x1a: {  	(ifvalue) =	ssetifvalue $0x40000000  }
0x1b: {  	[tilespmem:s13], [sflag:$0x1] =	stream.indirect.gather [hbm4b:s3+s12], $0x40, s2, s12, $0x40b8;
	[tilespmem:$0x16000] =	vst v63  }
0x1c: {  	(ifvalue) =	ssetifvalue $0x40000000  }
0x1d: {  	(ifvalue) =	ssetifvalue $0x40000000  }
0x1e: {  	[tilespmem:s14], [sflag:$0x1] =	stream.indirect.gather [hbm4b:s3+s12], $0x40, s7, s12, $0x40b8;
	[tilespmem:$0x16000] =	vst v63  }
0x1f: {  	(ifvalue) =	ssetifvalue $0x40000000  }
0x20: {  	(ifvalue) =	ssetifvalue $0x40000000  }
0x21: {  	[tilespmem:s15], [sflag:$0x1] =	stream.indirect.gather [hbm4b:s3+s12], $0x40, s10, s12, $0x40b8;
	[tilespmem:$0x16000] =	vst v63  }
0x22: {  	(ifvalue) =	ssetifvalue $0x40000000  }
0x23: {  	s11 =	simm.s32 $0xC0;
	(ifvalue) =	ssetifvalue $0x40000000  }
0x24: {  	[tilespmem:s17], [sflag:$0x1] =	stream.indirect.gather [hbm4b:s3+s12], $0x40, s11, s12, $0x40b8;
	[tilespmem:$0x16000] =	vst v63  }
0x25: {  	(ifvalue) =	ssetifvalue $0x40000000  }
0x26: {  	s7 =	simm.s32 $0x100;
	(ifvalue) =	ssetifvalue $0x40000000  }
0x27: {  	[tilespmem:s19], [sflag:$0x1] =	stream.indirect.gather [hbm4b:s3+s12], $0x40, s7, s12, $0x40b8;
	[tilespmem:$0x16000] =	vst v63  }
0x28: {  	(ifvalue) =	ssetifvalue $0x40000000  }
0x29: {  	s10 =	simm.s32 $0x140;
	(ifvalue) =	ssetifvalue $0x40000000  }
0x2a: {  	[tilespmem:s21], [sflag:$0x1] =	stream.indirect.gather [hbm4b:s3+s12], $0x40, s10, s12, $0x40b8;
	[tilespmem:$0x16000] =	vst v63  }
0x2b: {  	(ifvalue) =	ssetifvalue $0x40000000  }
0x2c: {  	s11 =	simm.s32 $0x180;
	(ifvalue) =	ssetifvalue $0x40000000  }
0x2d: {  	[tilespmem:s23], [sflag:$0x1] =	stream.indirect.gather [hbm4b:s3+s12], $0x40, s11, s12, $0x40b8;
	[tilespmem:$0x16000] =	vst v63  }
0x2e: {  	(ifvalue) =	ssetifvalue $0x40000000  }
0x2f: {  	s7 =	simm.s32 $0x1C0;
	(ifvalue) =	ssetifvalue $0x40000000  }
0x30: {  	[tilespmem:s25], [sflag:$0x1] =	stream.indirect.gather [hbm4b:s3+s12], $0x40, s7, s12, $0x40b8;
	[tilespmem:$0x16000] =	vst v63  }
0x31: {  	(ifvalue) =	ssetifvalue $0x40000000  }
0x32: {  	s10 =	simm.s32 $0x200;
	(ifvalue) =	ssetifvalue $0x40000000  }
0x33: {  	[tilespmem:s28], [sflag:$0x2] =	stream.indirect.gather [hbm4b:s3+s12], $0x40, s10, s12, $0x40b8;
	[tilespmem:$0x16000] =	vst v63  }
0x34: {  	(ifvalue) =	ssetifvalue $0x40000000  }
0x35: {  	s11 =	simm.s32 $0x240;
	(ifvalue) =	ssetifvalue $0x40000000  }
0x36: {  	[tilespmem:s30], [sflag:$0x2] =	stream.indirect.gather [hbm4b:s3+s12], $0x40, s11, s12, $0x40b8;
	[tilespmem:$0x16000] =	vst v63  }
0x37: {  	(ifvalue) =	ssetifvalue $0x40000000  }
0x38: {  	s7 =	simm.s32 $0x280;
	(ifvalue) =	ssetifvalue $0x40000000  }
0x39: {  	[tilespmem:s0], [sflag:$0x2] =	stream.indirect.gather [hbm4b:s3+s12], $0x40, s7, s12, $0x40b8;
	[tilespmem:$0x16000] =	vst v63  }
0x3a: {  	(ifvalue) =	ssetifvalue $0x40000000  }
0x3b: {  	s10 =	simm.s32 $0x2C0;
	(ifvalue) =	ssetifvalue $0x40000000  }
0x3c: {  	[tilespmem:s16], [sflag:$0x2] =	stream.indirect.gather [hbm4b:s3+s12], $0x40, s10, s12, $0x40b8;
	[tilespmem:$0x16000] =	vst v63  }
0x3d: {  	(ifvalue) =	ssetifvalue $0x40000000  }
0x3e: {  	s11 =	simm.s32 $0x300;
	(ifvalue) =	ssetifvalue $0x40000000  }
0x3f: {  	[tilespmem:s20], [sflag:$0x2] =	stream.indirect.gather [hbm4b:s3+s12], $0x40, s11, s12, $0x40b8;
	[tilespmem:$0x16000] =	vst v63  }
0x40: {  	(ifvalue) =	ssetifvalue $0x40000000  }
0x41: {  	s7 =	simm.s32 $0x340;
	(ifvalue) =	ssetifvalue $0x40000000  }
0x42: {  	[tilespmem:s24], [sflag:$0x2] =	stream.indirect.gather [hbm4b:s3+s12], $0x40, s7, s12, $0x40b8;
	[tilespmem:$0x16000] =	vst v63  }
0x43: {  	(ifvalue) =	ssetifvalue $0x40000000  }
0x44: {  	s10 =	simm.s32 $0x380;
	(ifvalue) =	ssetifvalue $0x40000000  }
0x45: {  	[tilespmem:s29], [sflag:$0x2] =	stream.indirect.gather [hbm4b:s3+s12], $0x40, s10, s12, $0x40b8;
	[tilespmem:$0x16000] =	vst v63  }
0x46: {  	(ifvalue) =	ssetifvalue $0x40000000  }
0x47: {  	s11 =	simm.s32 $0x3C0;
	(ifvalue) =	ssetifvalue $0x40000000  }
0x48: {  	[tilespmem:s1], [sflag:$0x2] =	stream.indirect.gather [hbm4b:s3+s12], $0x40, s11, s12, $0x40b8;
	[tilespmem:$0x16000] =	vst v63  }
0x49: {  	_ =	swait.ge [sflag:s18], $0xE00  }
0x4a: {  	[sflag:s18] =	ssyncset.done $0x0  }
0x4b: {  	[sflag:s18] =	ssyncadd.s32 $0xFFFFF200  }
0x4c: {  	_ =	swait.ge [sflag:s18], $0xE00  }
0x4d: {  	[sflag:s18] =	ssyncset.done $0x0  }
0x4e: {  	[sflag:s18] =	ssyncadd.s32 $0xFFFFF200  }
0x4f: {  	_ =	swait.ge [sflag:s18], $0xE00  }
0x50: {  	[sflag:s18] =	ssyncset.done $0x0  }
0x51: {  	[sflag:s18] =	ssyncadd.s32 $0xFFFFF200  }
0x52: {  	_ =	swait.ge [sflag:s18], $0xE00  }
0x53: {  	[sflag:s18] =	ssyncset.done $0x0  }
0x54: {  	[sflag:s18] =	ssyncadd.s32 $0xFFFFF200  }
0x55: {  	_ =	swait.ge [sflag:s18], $0xE00  }
0x56: {  	[sflag:s18] =	ssyncset.done $0x0  }
0x57: {  	[sflag:s18] =	ssyncadd.s32 $0xFFFFF200  }
0x58: {  	_ =	swait.ge [sflag:s18], $0xE00  }
0x59: {  	[sflag:s18] =	ssyncset.done $0x0  }
0x5a: {  	[sflag:s18] =	ssyncadd.s32 $0xFFFFF200  }
0x5b: {  	_ =	swait.ge [sflag:s18], $0xE00  }
0x5c: {  	[sflag:s18] =	ssyncset.done $0x0  }
0x5d: {  	[sflag:s18] =	ssyncadd.s32 $0xFFFFF200  }
0x5e: {  	_ =	swait.ge [sflag:s18], $0xE00  }
0x5f: {  	[sflag:s18] =	ssyncset.done $0x0  }
0x60: {  	[sflag:s18] =	ssyncadd.s32 $0xFFFFF200  }
0x61: {  	[hbm4b:s8+s2] =	stream.linear.scatter [tilespmem:s13], [sflag:$0x3], $0xC80, $0x38;
	[tilespmem:$0x16000] =	vst v63  }
0x62: {  	s7 =	sadd.s32 $0x190, s8  }
0x63: {  	[hbm4b:s7+s2] =	stream.linear.scatter [tilespmem:s14], [sflag:$0x3], $0xC80, $0x38;
	[tilespmem:$0x16000] =	vst v63  }
0x64: {  	s10 =	sadd.s32 $0x320, s8  }
0x65: {  	[hbm4b:s10+s2] =	stream.linear.scatter [tilespmem:s15], [sflag:$0x3], $0xC80, $0x38;
	[tilespmem:$0x16000] =	vst v63  }
0x66: {  	s11 =	sadd.s32 $0x4B0, s8  }
0x67: {  	[hbm4b:s11+s2] =	stream.linear.scatter [tilespmem:s17], [sflag:$0x3], $0xC80, $0x38;
	[tilespmem:$0x16000] =	vst v63  }
0x68: {  	s7 =	sadd.s32 $0x640, s8  }
0x69: {  	[hbm4b:s7+s2] =	stream.linear.scatter [tilespmem:s19], [sflag:$0x3], $0xC80, $0x38;
	[tilespmem:$0x16000] =	vst v63  }
0x6a: {  	s10 =	sadd.s32 $0x7D0, s8  }
0x6b: {  	[hbm4b:s10+s2] =	stream.linear.scatter [tilespmem:s21], [sflag:$0x3], $0xC80, $0x38;
	[tilespmem:$0x16000] =	vst v63  }
0x6c: {  	s11 =	sadd.s32 $0x960, s8  }
0x6d: {  	[hbm4b:s11+s2] =	stream.linear.scatter [tilespmem:s23], [sflag:$0x3], $0xC80, $0x38;
	[tilespmem:$0x16000] =	vst v63  }
0x6e: {  	s7 =	sadd.s32 $0xAF0, s8  }
0x6f: {  	[hbm4b:s7+s2] =	stream.linear.scatter [tilespmem:s25], [sflag:$0x3], $0xC80, $0x38;
	[tilespmem:$0x16000] =	vst v63  }
0x70: {  	_ =	swait.ge [sflag:s22], $0xE00  }
0x71: {  	[sflag:s22] =	ssyncset.done $0x0  }
0x72: {  	[sflag:s22] =	ssyncadd.s32 $0xFFFFF200  }
0x73: {  	_ =	swait.ge [sflag:s22], $0xE00  }
0x74: {  	[sflag:s22] =	ssyncset.done $0x0  }
0x75: {  	[sflag:s22] =	ssyncadd.s32 $0xFFFFF200  }
0x76: {  	_ =	swait.ge [sflag:s22], $0xE00  }
0x77: {  	[sflag:s22] =	ssyncset.done $0x0  }
0x78: {  	[sflag:s22] =	ssyncadd.s32 $0xFFFFF200  }
0x79: {  	_ =	swait.ge [sflag:s22], $0xE00  }
0x7a: {  	[sflag:s22] =	ssyncset.done $0x0  }
0x7b: {  	[sflag:s22] =	ssyncadd.s32 $0xFFFFF200  }
0x7c: {  	_ =	swait.ge [sflag:s22], $0xE00  }
0x7d: {  	[sflag:s22] =	ssyncset.done $0x0  }
0x7e: {  	[sflag:s22] =	ssyncadd.s32 $0xFFFFF200  }
0x7f: {  	_ =	swait.ge [sflag:s22], $0xE00  }
0x80: {  	[sflag:s22] =	ssyncset.done $0x0  }
0x81: {  	[sflag:s22] =	ssyncadd.s32 $0xFFFFF200  }
0x82: {  	_ =	swait.ge [sflag:s22], $0xE00  }
0x83: {  	[sflag:s22] =	ssyncset.done $0x0  }
0x84: {  	[sflag:s22] =	ssyncadd.s32 $0xFFFFF200  }
0x85: {  	_ =	swait.ge [sflag:s22], $0xE00  }
0x86: {  	[sflag:s22] =	ssyncset.done $0x0  }
0x87: {  	s10 =	sadd.s32 $0xC80, s8;
	[sflag:s22] =	ssyncadd.s32 $0xFFFFF200  }
0x88: {  	[hbm4b:s10+s2] =	stream.linear.scatter [tilespmem:s28], [sflag:$0x4], $0xC80, $0x38;
	[tilespmem:$0x16000] =	vst v63  }
0x89: {  	s11 =	sadd.s32 $0xE10, s8  }
0x8a: {  	[hbm4b:s11+s2] =	stream.linear.scatter [tilespmem:s30], [sflag:$0x4], $0xC80, $0x38;
	[tilespmem:$0x16000] =	vst v63  }
0x8b: {  	s7 =	sadd.s32 $0xFA0, s8  }
0x8c: {  	[hbm4b:s7+s2] =	stream.linear.scatter [tilespmem:s0], [sflag:$0x4], $0xC80, $0x38;
	[tilespmem:$0x16000] =	vst v63  }
0x8d: {  	s10 =	sadd.s32 $0x1130, s8  }
0x8e: {  	[hbm4b:s10+s2] =	stream.linear.scatter [tilespmem:s16], [sflag:$0x4], $0xC80, $0x38;
	[tilespmem:$0x16000] =	vst v63  }
0x8f: {  	s11 =	sadd.s32 $0x12C0, s8  }
0x90: {  	[hbm4b:s11+s2] =	stream.linear.scatter [tilespmem:s20], [sflag:$0x4], $0xC80, $0x38;
	[tilespmem:$0x16000] =	vst v63  }
0x91: {  	s7 =	sadd.s32 $0x1450, s8  }
0x92: {  	[hbm4b:s7+s2] =	stream.linear.scatter [tilespmem:s24], [sflag:$0x4], $0xC80, $0x38;
	[tilespmem:$0x16000] =	vst v63  }
0x93: {  	s10 =	sadd.s32 $0x15E0, s8  }
0x94: {  	[hbm4b:s10+s2] =	stream.linear.scatter [tilespmem:s29], [sflag:$0x4], $0xC80, $0x38;
	[tilespmem:$0x16000] =	vst v63  }
0x95: {  	s11 =	sadd.s32 $0x1770, s8  }
0x96: {  	[hbm4b:s11+s2] =	stream.linear.scatter [tilespmem:s1], [sflag:$0x4], $0xC80, $0x38;
	[tilespmem:$0x16000] =	vst v63  }
0x97: {  	_ =	swait.ge [sflag:s26], $0x6400  }
0x98: {  	[sflag:s26] =	ssyncset.done $0x0  }
0x99: {  	[sflag:s26] =	ssyncadd.s32 $0xFFFF9C00;
	(ifvalue) =	ssetifvalue $0x40000000  }
0x9a: {  	s7 =	simm.s32 $0x400;
	(ifvalue) =	ssetifvalue $0x40000000  }
0x9b: {  	[tilespmem:s13], [sflag:$0x1] =	stream.indirect.gather [hbm4b:s3+s12], $0x40, s7, s12, $0x40b8;
	[tilespmem:$0x16000] =	vst v63  }
0x9c: {  	(ifvalue) =	ssetifvalue $0x40000000  }
0x9d: {  	s10 =	simm.s32 $0x440;
	(ifvalue) =	ssetifvalue $0x40000000  }
0x9e: {  	[tilespmem:s14], [sflag:$0x1] =	stream.indirect.gather [hbm4b:s3+s12], $0x40, s10, s12, $0x40b8;
	[tilespmem:$0x16000] =	vst v63  }
0x9f: {  	(ifvalue) =	ssetifvalue $0x40000000  }
0xa0: {  	s11 =	simm.s32 $0x480;
	(ifvalue) =	ssetifvalue $0x40000000  }
0xa1: {  	[tilespmem:s15], [sflag:$0x1] =	stream.indirect.gather [hbm4b:s3+s12], $0x40, s11, s12, $0x40b8;
	[tilespmem:$0x16000] =	vst v63  }
0xa2: {  	(ifvalue) =	ssetifvalue $0x40000000  }
0xa3: {  	s7 =	simm.s32 $0x4C0;
	(ifvalue) =	ssetifvalue $0x40000000  }
0xa4: {  	[tilespmem:s17], [sflag:$0x1] =	stream.indirect.gather [hbm4b:s3+s12], $0x40, s7, s12, $0x40b8;
	[tilespmem:$0x16000] =	vst v63  }
0xa5: {  	(ifvalue) =	ssetifvalue $0x40000000  }
0xa6: {  	s10 =	simm.s32 $0x500;
	(ifvalue) =	ssetifvalue $0x40000000  }
0xa7: {  	[tilespmem:s19], [sflag:$0x1] =	stream.indirect.gather [hbm4b:s3+s12], $0x40, s10, s12, $0x40b8;
	[tilespmem:$0x16000] =	vst v63  }
0xa8: {  	(ifvalue) =	ssetifvalue $0x40000000  }
0xa9: {  	s11 =	simm.s32 $0x540;
	(ifvalue) =	ssetifvalue $0x40000000  }
0xaa: {  	[tilespmem:s21], [sflag:$0x1] =	stream.indirect.gather [hbm4b:s3+s12], $0x40, s11, s12, $0x40b8;
	[tilespmem:$0x16000] =	vst v63  }
0xab: {  	(ifvalue) =	ssetifvalue $0x40000000  }
0xac: {  	s7 =	simm.s32 $0x580;
	(ifvalue) =	ssetifvalue $0x40000000  }
0xad: {  	[tilespmem:s23], [sflag:$0x1] =	stream.indirect.gather [hbm4b:s3+s12], $0x40, s7, s12, $0x40b8;
	[tilespmem:$0x16000] =	vst v63  }
0xae: {  	(ifvalue) =	ssetifvalue $0x40000000  }
0xaf: {  	s10 =	simm.s32 $0x5C0;
	(ifvalue) =	ssetifvalue $0x40000000  }
0xb0: {  	[tilespmem:s25], [sflag:$0x1] =	stream.indirect.gather [hbm4b:s3+s12], $0x40, s10, s12, $0x40b8;
	[tilespmem:$0x16000] =	vst v63  }
0xb1: {  	_ =	swait.ge [sflag:s31], $0x6400  }
0xb2: {  	[sflag:s31] =	ssyncset.done $0x0  }
0xb3: {  	[sflag:s31] =	ssyncadd.s32 $0xFFFF9C00;
	(ifvalue) =	ssetifvalue $0x40000000  }
0xb4: {  	s11 =	simm.s32 $0x600;
	(ifvalue) =	ssetifvalue $0x40000000  }
0xb5: {  	[tilespmem:s28], [sflag:$0x2] =	stream.indirect.gather [hbm4b:s3+s12], $0x40, s11, s12, $0x40b8;
	[tilespmem:$0x16000] =	vst v63  }
0xb6: {  	(ifvalue) =	ssetifvalue $0x40000000  }
0xb7: {  	s7 =	simm.s32 $0x640;
	(ifvalue) =	ssetifvalue $0x40000000  }
0xb8: {  	[tilespmem:s30], [sflag:$0x2] =	stream.indirect.gather [hbm4b:s3+s12], $0x40, s7, s12, $0x40b8;
	[tilespmem:$0x16000] =	vst v63  }
0xb9: {  	(ifvalue) =	ssetifvalue $0x40000000  }
0xba: {  	s10 =	simm.s32 $0x680;
	(ifvalue) =	ssetifvalue $0x40000000  }
0xbb: {  	[tilespmem:s0], [sflag:$0x2] =	stream.indirect.gather [hbm4b:s3+s12], $0x40, s10, s12, $0x40b8;
	[tilespmem:$0x16000] =	vst v63  }
0xbc: {  	(ifvalue) =	ssetifvalue $0x40000000  }
0xbd: {  	s11 =	simm.s32 $0x6C0;
	(ifvalue) =	ssetifvalue $0x40000000  }
0xbe: {  	[tilespmem:s16], [sflag:$0x2] =	stream.indirect.gather [hbm4b:s3+s12], $0x40, s11, s12, $0x40b8;
	[tilespmem:$0x16000] =	vst v63  }
0xbf: {  	(ifvalue) =	ssetifvalue $0x40000000  }
0xc0: {  	s7 =	simm.s32 $0x700;
	(ifvalue) =	ssetifvalue $0x40000000  }
0xc1: {  	[tilespmem:s20], [sflag:$0x2] =	stream.indirect.gather [hbm4b:s3+s12], $0x40, s7, s12, $0x40b8;
	[tilespmem:$0x16000] =	vst v63  }
0xc2: {  	(ifvalue) =	ssetifvalue $0x40000000  }
0xc3: {  	s10 =	simm.s32 $0x740;
	(ifvalue) =	ssetifvalue $0x40000000  }
0xc4: {  	[tilespmem:s24], [sflag:$0x2] =	stream.indirect.gather [hbm4b:s3+s12], $0x40, s10, s12, $0x40b8;
	[tilespmem:$0x16000] =	vst v63  }
0xc5: {  	(ifvalue) =	ssetifvalue $0x40000000  }
0xc6: {  	s11 =	simm.s32 $0x780;
	(ifvalue) =	ssetifvalue $0x40000000  }
0xc7: {  	[tilespmem:s29], [sflag:$0x2] =	stream.indirect.gather [hbm4b:s3+s12], $0x40, s11, s12, $0x40b8;
	[tilespmem:$0x16000] =	vst v63  }
0xc8: {  	s4 =	sadd.s32 $0x1900, s8;
	(ifvalue) =	ssetifvalue $0x40000000  }
0xc9: {  	s7 =	simm.s32 $0x7C0;
	s10 =	simm.s32 $0x1000;
	(ifvalue) =	ssetifvalue $0x40000000  }
.LBB2_2:
0xca: {  	[tilespmem:s1], [sflag:$0x2] =	stream.indirect.gather [hbm4b:s3+s12], $0x40, s7, s12, $0x40b8;
	[tilespmem:$0x16000] =	vst v63  }
0xcb: {  	s7 =	smov.u32 s10  }
0xcc: {  	p0 =	sne.s32 s10, $0x1E000;
	s10 =	sadd.s32 $0x1000, s10;
	_ =	swait.ge [sflag:s18], $0xE00  }
0xcd: {  	[sflag:s18] =	ssyncset.done $0x0  }
0xce: {  	[sflag:s18] =	ssyncadd.s32 $0xFFFFF200  }
0xcf: {  	_ =	swait.ge [sflag:s18], $0xE00  }
0xd0: {  	[sflag:s18] =	ssyncset.done $0x0  }
0xd1: {  	[sflag:s18] =	ssyncadd.s32 $0xFFFFF200  }
0xd2: {  	_ =	swait.ge [sflag:s18], $0xE00  }
0xd3: {  	[sflag:s18] =	ssyncset.done $0x0  }
0xd4: {  	[sflag:s18] =	ssyncadd.s32 $0xFFFFF200  }
0xd5: {  	_ =	swait.ge [sflag:s18], $0xE00  }
0xd6: {  	[sflag:s18] =	ssyncset.done $0x0  }
0xd7: {  	[sflag:s18] =	ssyncadd.s32 $0xFFFFF200  }
0xd8: {  	_ =	swait.ge [sflag:s18], $0xE00  }
0xd9: {  	[sflag:s18] =	ssyncset.done $0x0  }
0xda: {  	[sflag:s18] =	ssyncadd.s32 $0xFFFFF200  }
0xdb: {  	_ =	swait.ge [sflag:s18], $0xE00  }
0xdc: {  	[sflag:s18] =	ssyncset.done $0x0  }
0xdd: {  	[sflag:s18] =	ssyncadd.s32 $0xFFFFF200  }
0xde: {  	_ =	swait.ge [sflag:s18], $0xE00  }
0xdf: {  	[sflag:s18] =	ssyncset.done $0x0  }
0xe0: {  	[sflag:s18] =	ssyncadd.s32 $0xFFFFF200  }
0xe1: {  	_ =	swait.ge [sflag:s18], $0xE00  }
0xe2: {  	[sflag:s18] =	ssyncset.done $0x0  }
0xe3: {  	[sflag:s18] =	ssyncadd.s32 $0xFFFFF200  }
0xe4: {  	[hbm4b:s4+s2] =	stream.linear.scatter [tilespmem:s13], [sflag:$0x3], $0xC80, $0x38;
	[tilespmem:$0x16000] =	vst v63  }
0xe5: {  	s11 =	sadd.s32 $0x190, s4  }
0xe6: {  	[hbm4b:s11+s2] =	stream.linear.scatter [tilespmem:s14], [sflag:$0x3], $0xC80, $0x38;
	[tilespmem:$0x16000] =	vst v63  }
0xe7: {  	s11 =	sadd.s32 $0x320, s4  }
0xe8: {  	[hbm4b:s11+s2] =	stream.linear.scatter [tilespmem:s15], [sflag:$0x3], $0xC80, $0x38;
	[tilespmem:$0x16000] =	vst v63  }
0xe9: {  	s11 =	sadd.s32 $0x4B0, s4  }
0xea: {  	[hbm4b:s11+s2] =	stream.linear.scatter [tilespmem:s17], [sflag:$0x3], $0xC80, $0x38;
	[tilespmem:$0x16000] =	vst v63  }
0xeb: {  	s11 =	sadd.s32 $0x640, s4  }
0xec: {  	[hbm4b:s11+s2] =	stream.linear.scatter [tilespmem:s19], [sflag:$0x3], $0xC80, $0x38;
	[tilespmem:$0x16000] =	vst v63  }
0xed: {  	s11 =	sadd.s32 $0x7D0, s4  }
0xee: {  	[hbm4b:s11+s2] =	stream.linear.scatter [tilespmem:s21], [sflag:$0x3], $0xC80, $0x38;
	[tilespmem:$0x16000] =	vst v63  }
0xef: {  	s11 =	sadd.s32 $0x960, s4  }
0xf0: {  	[hbm4b:s11+s2] =	stream.linear.scatter [tilespmem:s23], [sflag:$0x3], $0xC80, $0x38;
	[tilespmem:$0x16000] =	vst v63  }
0xf1: {  	s11 =	sadd.s32 $0xAF0, s4  }
0xf2: {  	[hbm4b:s11+s2] =	stream.linear.scatter [tilespmem:s25], [sflag:$0x3], $0xC80, $0x38;
	[tilespmem:$0x16000] =	vst v63  }
0xf3: {  	_ =	swait.ge [sflag:s22], $0xE00  }
0xf4: {  	[sflag:s22] =	ssyncset.done $0x0  }
0xf5: {  	[sflag:s22] =	ssyncadd.s32 $0xFFFFF200  }
0xf6: {  	_ =	swait.ge [sflag:s22], $0xE00  }
0xf7: {  	[sflag:s22] =	ssyncset.done $0x0  }
0xf8: {  	[sflag:s22] =	ssyncadd.s32 $0xFFFFF200  }
0xf9: {  	_ =	swait.ge [sflag:s22], $0xE00  }
0xfa: {  	[sflag:s22] =	ssyncset.done $0x0  }
0xfb: {  	[sflag:s22] =	ssyncadd.s32 $0xFFFFF200  }
0xfc: {  	_ =	swait.ge [sflag:s22], $0xE00  }
0xfd: {  	[sflag:s22] =	ssyncset.done $0x0  }
0xfe: {  	[sflag:s22] =	ssyncadd.s32 $0xFFFFF200  }
0xff: {  	_ =	swait.ge [sflag:s22], $0xE00  }
0x100: {  	[sflag:s22] =	ssyncset.done $0x0  }
0x101: {  	[sflag:s22] =	ssyncadd.s32 $0xFFFFF200  }
0x102: {  	_ =	swait.ge [sflag:s22], $0xE00  }
0x103: {  	[sflag:s22] =	ssyncset.done $0x0  }
0x104: {  	[sflag:s22] =	ssyncadd.s32 $0xFFFFF200  }
0x105: {  	_ =	swait.ge [sflag:s22], $0xE00  }
0x106: {  	[sflag:s22] =	ssyncset.done $0x0  }
0x107: {  	[sflag:s22] =	ssyncadd.s32 $0xFFFFF200  }
0x108: {  	_ =	swait.ge [sflag:s22], $0xE00  }
0x109: {  	[sflag:s22] =	ssyncset.done $0x0  }
0x10a: {  	s11 =	sadd.s32 $0xC80, s4;
	[sflag:s22] =	ssyncadd.s32 $0xFFFFF200  }
0x10b: {  	[hbm4b:s11+s2] =	stream.linear.scatter [tilespmem:s28], [sflag:$0x4], $0xC80, $0x38;
	[tilespmem:$0x16000] =	vst v63  }
0x10c: {  	s11 =	sadd.s32 $0xE10, s4  }
0x10d: {  	[hbm4b:s11+s2] =	stream.linear.scatter [tilespmem:s30], [sflag:$0x4], $0xC80, $0x38;
	[tilespmem:$0x16000] =	vst v63  }
0x10e: {  	s11 =	sadd.s32 $0xFA0, s4  }
0x10f: {  	[hbm4b:s11+s2] =	stream.linear.scatter [tilespmem:s0], [sflag:$0x4], $0xC80, $0x38;
	[tilespmem:$0x16000] =	vst v63  }
0x110: {  	s11 =	sadd.s32 $0x1130, s4  }
0x111: {  	[hbm4b:s11+s2] =	stream.linear.scatter [tilespmem:s16], [sflag:$0x4], $0xC80, $0x38;
	[tilespmem:$0x16000] =	vst v63  }
0x112: {  	s11 =	sadd.s32 $0x12C0, s4  }
0x113: {  	[hbm4b:s11+s2] =	stream.linear.scatter [tilespmem:s20], [sflag:$0x4], $0xC80, $0x38;
	[tilespmem:$0x16000] =	vst v63  }
0x114: {  	s11 =	sadd.s32 $0x1450, s4  }
0x115: {  	[hbm4b:s11+s2] =	stream.linear.scatter [tilespmem:s24], [sflag:$0x4], $0xC80, $0x38;
	[tilespmem:$0x16000] =	vst v63  }
0x116: {  	s11 =	sadd.s32 $0x15E0, s4  }
0x117: {  	[hbm4b:s11+s2] =	stream.linear.scatter [tilespmem:s29], [sflag:$0x4], $0xC80, $0x38;
	[tilespmem:$0x16000] =	vst v63  }
0x118: {  	s11 =	sadd.s32 $0x1770, s4  }
0x119: {  	[hbm4b:s11+s2] =	stream.linear.scatter [tilespmem:s1], [sflag:$0x4], $0xC80, $0x38;
	[tilespmem:$0x16000] =	vst v63  }
0x11a: {  	_ =	swait.ge [sflag:s26], $0x6400  }
0x11b: {  	[sflag:s26] =	ssyncset.done $0x0  }
0x11c: {  	[sflag:s26] =	ssyncadd.s32 $0xFFFF9C00  }
0x11d: {  	s7 =	sshra.s32 s7, $0x2;
	(ifvalue) =	ssetifvalue $0x40000000  }
0x11e: {  	s11 =	sadd.s32 $0x400, s7;
	(ifvalue) =	ssetifvalue $0x40000000  }
0x11f: {  	[tilespmem:s13], [sflag:$0x1] =	stream.indirect.gather [hbm4b:s3+s12], $0x40, s11, s12, $0x40b8;
	[tilespmem:$0x16000] =	vst v63  }
0x120: {  	(ifvalue) =	ssetifvalue $0x40000000  }
0x121: {  	s11 =	sadd.s32 $0x440, s7;
	(ifvalue) =	ssetifvalue $0x40000000  }
0x122: {  	[tilespmem:s14], [sflag:$0x1] =	stream.indirect.gather [hbm4b:s3+s12], $0x40, s11, s12, $0x40b8;
	[tilespmem:$0x16000] =	vst v63  }
0x123: {  	(ifvalue) =	ssetifvalue $0x40000000  }
0x124: {  	s11 =	sadd.s32 $0x480, s7;
	(ifvalue) =	ssetifvalue $0x40000000  }
0x125: {  	[tilespmem:s15], [sflag:$0x1] =	stream.indirect.gather [hbm4b:s3+s12], $0x40, s11, s12, $0x40b8;
	[tilespmem:$0x16000] =	vst v63  }
0x126: {  	(ifvalue) =	ssetifvalue $0x40000000  }
0x127: {  	s11 =	sadd.s32 $0x4C0, s7;
	(ifvalue) =	ssetifvalue $0x40000000  }
0x128: {  	[tilespmem:s17], [sflag:$0x1] =	stream.indirect.gather [hbm4b:s3+s12], $0x40, s11, s12, $0x40b8;
	[tilespmem:$0x16000] =	vst v63  }
0x129: {  	(ifvalue) =	ssetifvalue $0x40000000  }
0x12a: {  	s11 =	sadd.s32 $0x500, s7;
	(ifvalue) =	ssetifvalue $0x40000000  }
0x12b: {  	[tilespmem:s19], [sflag:$0x1] =	stream.indirect.gather [hbm4b:s3+s12], $0x40, s11, s12, $0x40b8;
	[tilespmem:$0x16000] =	vst v63  }
0x12c: {  	(ifvalue) =	ssetifvalue $0x40000000  }
0x12d: {  	s11 =	sadd.s32 $0x540, s7;
	(ifvalue) =	ssetifvalue $0x40000000  }
0x12e: {  	[tilespmem:s21], [sflag:$0x1] =	stream.indirect.gather [hbm4b:s3+s12], $0x40, s11, s12, $0x40b8;
	[tilespmem:$0x16000] =	vst v63  }
0x12f: {  	(ifvalue) =	ssetifvalue $0x40000000  }
0x130: {  	s11 =	sadd.s32 $0x580, s7;
	(ifvalue) =	ssetifvalue $0x40000000  }
0x131: {  	[tilespmem:s23], [sflag:$0x1] =	stream.indirect.gather [hbm4b:s3+s12], $0x40, s11, s12, $0x40b8;
	[tilespmem:$0x16000] =	vst v63  }
0x132: {  	(ifvalue) =	ssetifvalue $0x40000000  }
0x133: {  	s11 =	sadd.s32 $0x5C0, s7;
	(ifvalue) =	ssetifvalue $0x40000000  }
0x134: {  	[tilespmem:s25], [sflag:$0x1] =	stream.indirect.gather [hbm4b:s3+s12], $0x40, s11, s12, $0x40b8;
	[tilespmem:$0x16000] =	vst v63  }
0x135: {  	_ =	swait.ge [sflag:s31], $0x6400  }
0x136: {  	[sflag:s31] =	ssyncset.done $0x0  }
0x137: {  	[sflag:s31] =	ssyncadd.s32 $0xFFFF9C00  }
0x138: {  	(ifvalue) =	ssetifvalue $0x40000000  }
0x139: {  	s11 =	sadd.s32 $0x600, s7;
	(ifvalue) =	ssetifvalue $0x40000000  }
0x13a: {  	[tilespmem:s28], [sflag:$0x2] =	stream.indirect.gather [hbm4b:s3+s12], $0x40, s11, s12, $0x40b8;
	[tilespmem:$0x16000] =	vst v63  }
0x13b: {  	(ifvalue) =	ssetifvalue $0x40000000  }
0x13c: {  	s11 =	sadd.s32 $0x640, s7;
	(ifvalue) =	ssetifvalue $0x40000000  }
0x13d: {  	[tilespmem:s30], [sflag:$0x2] =	stream.indirect.gather [hbm4b:s3+s12], $0x40, s11, s12, $0x40b8;
	[tilespmem:$0x16000] =	vst v63  }
0x13e: {  	(ifvalue) =	ssetifvalue $0x40000000  }
0x13f: {  	s11 =	sadd.s32 $0x680, s7;
	(ifvalue) =	ssetifvalue $0x40000000  }
0x140: {  	[tilespmem:s0], [sflag:$0x2] =	stream.indirect.gather [hbm4b:s3+s12], $0x40, s11, s12, $0x40b8;
	[tilespmem:$0x16000] =	vst v63  }
0x141: {  	(ifvalue) =	ssetifvalue $0x40000000  }
0x142: {  	s11 =	sadd.s32 $0x6C0, s7;
	(ifvalue) =	ssetifvalue $0x40000000  }
0x143: {  	[tilespmem:s16], [sflag:$0x2] =	stream.indirect.gather [hbm4b:s3+s12], $0x40, s11, s12, $0x40b8;
	[tilespmem:$0x16000] =	vst v63  }
0x144: {  	(ifvalue) =	ssetifvalue $0x40000000  }
0x145: {  	s11 =	sadd.s32 $0x700, s7;
	(ifvalue) =	ssetifvalue $0x40000000  }
0x146: {  	[tilespmem:s20], [sflag:$0x2] =	stream.indirect.gather [hbm4b:s3+s12], $0x40, s11, s12, $0x40b8;
	[tilespmem:$0x16000] =	vst v63  }
0x147: {  	(ifvalue) =	ssetifvalue $0x40000000  }
0x148: {  	s11 =	sadd.s32 $0x740, s7;
	(ifvalue) =	ssetifvalue $0x40000000  }
0x149: {  	[tilespmem:s24], [sflag:$0x2] =	stream.indirect.gather [hbm4b:s3+s12], $0x40, s11, s12, $0x40b8;
	[tilespmem:$0x16000] =	vst v63  }
.Ltmp0:
0x14a: {  	(ifvalue) =	ssetifvalue $0x40000000;
	(pc) =	sbr.rel @p0 .LBB2_2-.Ltmp0, $4  }
0x14b: {  	s11 =	sadd.s32 $0x780, s7;
	(ifvalue) =	ssetifvalue $0x40000000  }
0x14c: {  	[tilespmem:s29], [sflag:$0x2] =	stream.indirect.gather [hbm4b:s3+s12], $0x40, s11, s12, $0x40b8;
	[tilespmem:$0x16000] =	vst v63  }
0x14d: {  	(ifvalue) =	ssetifvalue $0x40000000  }
0x14e: {  	s4 =	sadd.s32 $0x1900, s4;
	s7 =	sadd.s32 $0x7C0, s7;
	(ifvalue) =	ssetifvalue $0x40000000  }
0x14f: {  	[tilespmem:s1], [sflag:$0x2] =	stream.indirect.gather [hbm4b:s3+s12], $0x40, s7, s12, $0x40b8;
	[tilespmem:$0x16000] =	vst v63  }
0x150: {  	_ =	swait.ge [sflag:s18], $0xE00  }
0x151: {  	[sflag:s18] =	ssyncset.done $0x0  }
0x152: {  	[sflag:s18] =	ssyncadd.s32 $0xFFFFF200  }
0x153: {  	_ =	swait.ge [sflag:s18], $0xE00  }
0x154: {  	[sflag:s18] =	ssyncset.done $0x0  }
0x155: {  	[sflag:s18] =	ssyncadd.s32 $0xFFFFF200  }
0x156: {  	_ =	swait.ge [sflag:s18], $0xE00  }
0x157: {  	[sflag:s18] =	ssyncset.done $0x0  }
0x158: {  	[sflag:s18] =	ssyncadd.s32 $0xFFFFF200  }
0x159: {  	_ =	swait.ge [sflag:s18], $0xE00  }
0x15a: {  	[sflag:s18] =	ssyncset.done $0x0  }
0x15b: {  	[sflag:s18] =	ssyncadd.s32 $0xFFFFF200  }
0x15c: {  	_ =	swait.ge [sflag:s18], $0xE00  }
0x15d: {  	[sflag:s18] =	ssyncset.done $0x0  }
0x15e: {  	[sflag:s18] =	ssyncadd.s32 $0xFFFFF200  }
0x15f: {  	_ =	swait.ge [sflag:s18], $0xE00  }
0x160: {  	[sflag:s18] =	ssyncset.done $0x0  }
0x161: {  	[sflag:s18] =	ssyncadd.s32 $0xFFFFF200  }
0x162: {  	_ =	swait.ge [sflag:s18], $0xE00  }
0x163: {  	[sflag:s18] =	ssyncset.done $0x0  }
0x164: {  	[sflag:s18] =	ssyncadd.s32 $0xFFFFF200  }
0x165: {  	_ =	swait.ge [sflag:s18], $0xE00  }
0x166: {  	[sflag:s18] =	ssyncset.done $0x0  }
0x167: {  	[sflag:s18] =	ssyncadd.s32 $0xFFFFF200  }
0x168: {  	[hbm4b:s5+s2] =	stream.linear.scatter [tilespmem:s13], [sflag:$0x3], $0xC80, $0x38;
	[tilespmem:$0x16000] =	vst v63  }
0x169: {  	s4 =	sadd.s32 $0x190, s5  }
0x16a: {  	[hbm4b:s4+s2] =	stream.linear.scatter [tilespmem:s14], [sflag:$0x3], $0xC80, $0x38;
	[tilespmem:$0x16000] =	vst v63  }
0x16b: {  	s10 =	sadd.s32 $0x320, s5  }
0x16c: {  	[hbm4b:s10+s2] =	stream.linear.scatter [tilespmem:s15], [sflag:$0x3], $0xC80, $0x38;
	[tilespmem:$0x16000] =	vst v63  }
0x16d: {  	s11 =	sadd.s32 $0x4B0, s5  }
0x16e: {  	[hbm4b:s11+s2] =	stream.linear.scatter [tilespmem:s17], [sflag:$0x3], $0xC80, $0x38;
	[tilespmem:$0x16000] =	vst v63  }
0x16f: {  	s7 =	sadd.s32 $0x640, s5  }
0x170: {  	[hbm4b:s7+s2] =	stream.linear.scatter [tilespmem:s19], [sflag:$0x3], $0xC80, $0x38;
	[tilespmem:$0x16000] =	vst v63  }
0x171: {  	s10 =	sadd.s32 $0x7D0, s5  }
0x172: {  	[hbm4b:s10+s2] =	stream.linear.scatter [tilespmem:s21], [sflag:$0x3], $0xC80, $0x38;
	[tilespmem:$0x16000] =	vst v63  }
0x173: {  	s11 =	sadd.s32 $0x960, s5  }
0x174: {  	[hbm4b:s11+s2] =	stream.linear.scatter [tilespmem:s23], [sflag:$0x3], $0xC80, $0x38;
	[tilespmem:$0x16000] =	vst v63  }
0x175: {  	s7 =	sadd.s32 $0xAF0, s5  }
0x176: {  	[hbm4b:s7+s2] =	stream.linear.scatter [tilespmem:s25], [sflag:$0x3], $0xC80, $0x38;
	[tilespmem:$0x16000] =	vst v63  }
0x177: {  	_ =	swait.ge [sflag:s22], $0xE00  }
0x178: {  	[sflag:s22] =	ssyncset.done $0x0  }
0x179: {  	[sflag:s22] =	ssyncadd.s32 $0xFFFFF200  }
0x17a: {  	_ =	swait.ge [sflag:s22], $0xE00  }
0x17b: {  	[sflag:s22] =	ssyncset.done $0x0  }
0x17c: {  	[sflag:s22] =	ssyncadd.s32 $0xFFFFF200  }
0x17d: {  	_ =	swait.ge [sflag:s22], $0xE00  }
0x17e: {  	[sflag:s22] =	ssyncset.done $0x0  }
0x17f: {  	[sflag:s22] =	ssyncadd.s32 $0xFFFFF200  }
0x180: {  	_ =	swait.ge [sflag:s22], $0xE00  }
0x181: {  	[sflag:s22] =	ssyncset.done $0x0  }
0x182: {  	[sflag:s22] =	ssyncadd.s32 $0xFFFFF200  }
0x183: {  	_ =	swait.ge [sflag:s22], $0xE00  }
0x184: {  	[sflag:s22] =	ssyncset.done $0x0  }
0x185: {  	[sflag:s22] =	ssyncadd.s32 $0xFFFFF200  }
0x186: {  	_ =	swait.ge [sflag:s22], $0xE00  }
0x187: {  	[sflag:s22] =	ssyncset.done $0x0  }
0x188: {  	[sflag:s22] =	ssyncadd.s32 $0xFFFFF200  }
0x189: {  	_ =	swait.ge [sflag:s22], $0xE00  }
0x18a: {  	[sflag:s22] =	ssyncset.done $0x0  }
0x18b: {  	[sflag:s22] =	ssyncadd.s32 $0xFFFFF200  }
0x18c: {  	_ =	swait.ge [sflag:s22], $0xE00  }
0x18d: {  	[sflag:s22] =	ssyncset.done $0x0  }
0x18e: {  	[sflag:s22] =	ssyncadd.s32 $0xFFFFF200  }
0x18f: {  	[hbm4b:s6+s2] =	stream.linear.scatter [tilespmem:s28], [sflag:$0x4], $0xC80, $0x38;
	[tilespmem:$0x16000] =	vst v63  }
0x190: {  	s10 =	sadd.s32 $0x190, s6  }
0x191: {  	[hbm4b:s10+s2] =	stream.linear.scatter [tilespmem:s30], [sflag:$0x4], $0xC80, $0x38;
	[tilespmem:$0x16000] =	vst v63  }
0x192: {  	s11 =	sadd.s32 $0x320, s6  }
0x193: {  	[hbm4b:s11+s2] =	stream.linear.scatter [tilespmem:s0], [sflag:$0x4], $0xC80, $0x38;
	[tilespmem:$0x16000] =	vst v63  }
0x194: {  	s7 =	sadd.s32 $0x4B0, s6  }
0x195: {  	[hbm4b:s7+s2] =	stream.linear.scatter [tilespmem:s16], [sflag:$0x4], $0xC80, $0x38;
	[tilespmem:$0x16000] =	vst v63  }
0x196: {  	s10 =	sadd.s32 $0x640, s6  }
0x197: {  	[hbm4b:s10+s2] =	stream.linear.scatter [tilespmem:s20], [sflag:$0x4], $0xC80, $0x38;
	[tilespmem:$0x16000] =	vst v63  }
0x198: {  	s11 =	sadd.s32 $0x7D0, s6  }
0x199: {  	[hbm4b:s11+s2] =	stream.linear.scatter [tilespmem:s24], [sflag:$0x4], $0xC80, $0x38;
	[tilespmem:$0x16000] =	vst v63  }
0x19a: {  	s7 =	sadd.s32 $0x960, s6  }
0x19b: {  	[hbm4b:s7+s2] =	stream.linear.scatter [tilespmem:s29], [sflag:$0x4], $0xC80, $0x38;
	[tilespmem:$0x16000] =	vst v63  }
0x19c: {  	s10 =	sadd.s32 $0xAF0, s6  }
0x19d: {  	[hbm4b:s10+s2] =	stream.linear.scatter [tilespmem:s1], [sflag:$0x4], $0xC80, $0x38;
	[tilespmem:$0x16000] =	vst v63  }
0x19e: {  	_ =	swait.ge [sflag:s26], $0x6400  }
0x19f: {  	[sflag:s26] =	ssyncset.done $0x0  }
0x1a0: {  	[sflag:s26] =	ssyncadd.s32 $0xFFFF9C00  }
0x1a1: {  	_ =	swait.ge [sflag:s31], $0x6400  }
0x1a2: {  	s9 =	sadd.s32 $0x1, s9;
	s11 =	rddreg [dreg:$0x4]  }
0x1a3: {  	p0 =	sne.s32 s9, s11  }
.Ltmp1:
0x1a4: {  	_ = 	snop;
	(pc) =	sbr.rel @p0 .LBB2_1-.Ltmp1, $3  }
0x1a5: {  	_ =	sdelay $0x1  }
0x1a6: {  	[sflag:s31] =	ssyncset.done $0x0  }
0x1a7: {  	[sflag:s31] =	ssyncadd.s32 $0xFFFF9C00  }
0x1a8: {  	_ =	sfence.sel $0x180000  }
0x1a9: {  	[bflag:$0x0] =	sbarrier.arrive $0xFFFF  }
0x1aa: {  	_ =	strace $0x90000047  }
0x1ab: {  	s0 =	stileid.u32;
	[bflag:$0x2] =	sbarrier.arrive $0xFFFF  }
0x1ac: {  	p0 =	sne.s32 s0, $0x0;
	s0 =	rddreg [dreg:$0x2]  }
0x1ad: {  	s0 =	sadd.s32 @!p0 $0x100000, s0  }
0x1ae: {  	[sflag:s0] =	ssyncadd.tile.s32 @!p0 $0x1;
	_ =	shalt  }
.Lfunc_end2:
_tile_overlayer_lowered:
.L_overlay_start_2:
0x1af: {  	(tag) =	ssettag $0x2  }
0x1b0: {  	s0 =	rddreg [dreg:$0x0];
	s2 =	stileid.u32  }
0x1b1: {  	s1 =	rddreg [dreg:$0x1];
	p0 =	sne.s32 s2, $0x0  }
0x1b2: {  	s3 =	rddreg [dreg:$0x2];
	[bflag:$0x3] =	sbarrier.arrive $0xFFFF;
	s2 =	simm.s32 @!p0 $0x1C05  }
0x1b3: {  	[timem:s3], [sflag:s2] =	dma.local @!p0 [hbm:s0], s1  }
0x1b4: {  	s0 =	simm.s32 @!p0 $0x5  }
0x1b5: {  	_ =	swait.ge @!p0 [sflag:s0], s1  }
0x1b6: {  	s1 =	ssub.s32 @!p0 $0x0, s1;
	[sflag:s0] =	ssyncset.done @!p0 $0x0  }
0x1b7: {  	[sflag:s0] =	ssyncadd.s32 @!p0 s1  }
0x1b8: {  	[bflag:$0x3] =	sbarrier.arrive $0xFFFF  }
0x1b9: {  	_ =	shalt  }

// kernel: sparse-core-data-format-call.cloned.1.call-start
scs
called_computation_lowered:
.L_overlay_start_0:
0x0: {  	s2 =	sld [smem:$0x3FD9]  }
0x1: {  	s3 =	sld [smem:$0x3FFE];
	_ =	sdelay $0x1  }
0x2: {  	s1 =	srdreg.scid  }
0x3: {  	s0 =	sand.u32 $0x1, s1  }
0x4: {  	s18 =	sshll.u32 s0, $0xA;
	s2 =	sadd.s32 s3, s2  }
0x5: {  	s2 =	sadd.s32 s2, s18  }
0x6: {  	[smem:$0x3FC6] =	sst s2  }
0x7: {  	_ = 	snop  }
0x8: {  	s2 =	sld [smem:$0x3FD0];
	(tm) =	ssettm $0x1  }
0x9: {  	s19 =	sld [smem:$0x3FFB];
	_ =	sdelay $0x3  }
0xa: {  	_ =	strace s19  }
0xb: {  	s3 =	sld [smem:$0x3FFC];
	_ =	sdelay $0x3  }
0xc: {  	_ =	strace s3  }
0xd: {  	s3 =	sld [smem:$0x3FFD];
	_ =	sdelay $0x3  }
0xe: {  	_ =	strace s3  }
0xf: {  	_ =	strace $0x8FFFFFFF  }
0x10: {  	s20 =	sld [smem:$0x3FDB];
	_ =	sdelay $0x1  }
0x11: {  	s4 =	simm.s32 $_scs_section_size  }
0x12: {  	s5 =	simm.s32 $_size__tile_overlayer_lowered;
	s6 =	simm.s32 $_tile_overlayer_lowered  }
0x13: {  	s23 =	simm.s32 $0x1BFF;
	s22 =	sshll.u32 s6, $0x1;
	s3 =	sadd.s32 s4, s20  }
0x14: {  	s7 =	simm.s32 $0x0;
	s21 =	sshll.u32 s5, $0x1;
	s5 =	sadd.s32 s22, s3  }
0x15: {  	[timem:s7], [sflag:s23] =	dma.local [hbm:s5], s21  }
0x16: {  	_ =	swait.ge [sflag:s23], s21  }
0x17: {  	s4 =	ssub.s32 $0x0, s21;
	[sflag:s23] =	ssyncset.done $0x0  }
0x18: {  	[sflag:s23] =	ssyncadd.s32 s4;
	_ =	sdelay $0x1  }
0x19: {  	s24 =	simm.s32 $0x1B8B  }
0x1a: {  	_ =	swait.ge [sflag:s24], $0x1  }
0x1b: {  	[sflag:s24] =	ssyncset.done $0x0  }
0x1c: {  	s26 =	simm.s32 $0x1B8E;
	s25 =	sld [smem:$0x3FFE];
	[sflag:s24] =	ssyncadd.s32 $0xFFFFFFFF  }
0x1d: {  	s27 =	simm.s32 $execute0_lowered;
	[smem:$0x3FD2] =	sst s26  }
0x1e: {  	s5 =	sshll.u32 s27, $0x1;
	_ =	strace $0x80000049;
	[dreg:$0x1] =	wrdreg $0xFFFFFFFF  }
0x1f: {  	s28 =	simm.s32 $_size_execute0_lowered;
	s3 =	sadd.s32 s3, s5;
	[dreg:$0x0] =	wrdreg $0x0  }
0x20: {  	s5 =	sshll.u32 s28, $0x1;
	[dreg:$0x2] =	wrdreg s3  }
0x21: {  	[dreg:$0x3] =	wrdreg s5  }
0x22: {  	[dreg:$0x4] =	wrdreg $0xC0  }
0x23: {  	_ =	task [dreg:s7], $0x5FFFF  }
0x24: {  	[dreg:$0x1] =	wrdreg $0xFFFFFFFF  }
0x25: {  	[dreg:$0x0] =	wrdreg $0x60  }
0x26: {  	[dreg:$0x2] =	wrdreg s25  }
0x27: {  	[dreg:$0x3] =	wrdreg s2  }
0x28: {  	[dreg:$0x4] =	wrdreg $0x9  }
0x29: {  	_ =	task.clear_ibuf [dreg:s7], $0x5FFFF;
	_ =	strace $0x90000049  }
0x2a: {  	s29 =	simm.s32 $0x9;
	_ =	strace $0x8000004B  }
0x2b: {  	_ =	swait.ge [sflag:s29], $0x1  }
0x2c: {  	[sflag:s29] =	ssyncadd.s32 $0xFFFFFFFF  }
0x2d: {  	_ =	strace $0x9000004B  }
0x2e: {  	_ =	sfence  }
0x2f: {  	s30 =	sld [smem:$0x0];
	_ =	sdelay $0x2  }
0x30: {  	s31 =	sshll.u32 s1, $0xD;
	s1 =	sshrl.u32 s1, $0x2  }
0x31: {  	s3 =	sand.u32 $0x4000, s31;
	s1 =	sadd.s32 s1, s30  }
0x32: {  	s0 =	sor.u32 s3, s0;
	s1 =	sshll.u32 s1, $0x11  }
0x33: {  	s0 =	sor.u32 s1, s0  }
0x34: {  	s0 =	sadd.s32 $0x8F2B, s0  }
0x35: {  	[sflag:s0] =	ssyncadd.remote.s32 $0x1  }
0x36: {  	_ =	sfence.sel $0xFFFF  }
0x37: {  	[dreg:$0x0] =	wrdreg $0xFFFFFFFF;
	(pc) =	sbr.abs _section_cstart, $3  }
0x38: {  	[dreg:$0x1] =	wrdreg $0xFFFFFFFF  }
0x39: {  	_ =	task.clear_ibuf [dreg:s7], $0x2FFFF;
	_ =	strace $0x9FFFFFFF  }
0x3a: {  	(tm) =	ssettm $0x7FFFFFFF  }
0x3b: {  	_ =	shalt  }
tec
execute0_lowered:
.L_overlay_start_1:
0x0: {  	(tag) =	ssettag $0x1  }
0x1: {  	s0 =	srdreg.scid  }
0x2: {  	s1 =	sshll.u32 s0, $0x4  }
0x3: {  	s0 =	stileid.u32;
	s1 =	sand.u32 $0x10, s1  }
0x4: {  	s1 =	sor.u32 s0, s1  }
0x5: {  	s6 =	rddreg [dreg:$0x0];
	s4 =	simm.s32 $0x1;
	s2 =	sshll.u32 s1, $0x7  }
0x6: {  	s7 =	simm.s32 $0x2;
	s12 =	simm.s32 $0x0;
	s1 =	ssub.s32 $0x4000, s2  }
0x7: {  	s8 =	simm.s32 $0x20000;
	s13 =	simm.s32 $0x0;
	s3 =	sand.u32 $0xF80, s1  }
0x8: {  	s9 =	simm.s32 $0x0;
	s5 =	sshrl.u32 s1, $0xC;
	p0 =	sne.s32 s3, $0x0  }
.Ltmp0:
0x9: {  	s1 =	rddreg [dreg:$0x2];
	s4 =	simm.s32 @!p0 $0x0;
	(pc) =	sbr.rel .LBB1_1-.Ltmp0, $4  }
0xa: {  	s11 =	simm.s32 $0x0;
	s3 =	rddreg [dreg:$0x1];
	s5 =	sadd.s32 s4, s5  }
0xb: {  	_ =	strace $0x8000004A;
	s4 =	simm.s32 $0x1;
	s5 =	smul.u32 $0x32, s5  }
0xc: {  	s6 =	sadd.s32 $0xA00, s6;
	s10 =	smov.u32 s2;
	[sflag:s4] =	ssyncpa.u1 $0x0  }
0xd: {  	p0 =	por $0x0, $0x0;
	[sflag:s7] =	ssyncpa.u1 $0x0;
	s7 =	sor.u32 $0x1, s5  }
.LBB1_4:
0xe: {  	s16 =	sshll.u32 s13, $0x3;
	s17 =	sand.u32 $0x78, s13  }
0xf: {  	s30 =	sand.u32 $0x1F800, s13;
	s12 =	sshll.u32 s12, $0x11;
	s16 =	sand.u32 $0x3C00, s16  }
0x10: {  	[tilespmem:s15+$0x810 ss:$0x81] =	vst.msk $0xffff, v2;
	s31 =	sand.u32 $0x7, s13;
	s16 =	sor.u32 s17, s16;
	s17 =	sadd.s32 s3, s30  }
0x11: {  	[tilespmem:s15+$0x1020 ss:$0x81] =	vst.msk $0xffff, v0;
	s13 =	sshll.u32 s31, $0x12;
	s12 =	sadd.s32 s12, s17;
	s16 =	sshrl.u32 s16, $0x3  }
0x12: {  	[tilespmem:s15+$0x0 ss:$0x81] =	vst.msk $0xffff, v1;
	s13 =	sor.u32 $0x400, s13;
	s12 =	sadd.s32 s16, s12  }
0x13: {  	[hbm4b:s12+s13] =	stream.strided.scatter [tilespmem:s14], [sflag:$0x2], $0x2000, s8, s13, $0x20;
	[tilespmem:$0x8080] =	vst v63  }
.LBB1_5:
0x14: {  	s14 =	sadd.s32 $0x1, s9  }
0x15: {  	s12 =	sadd.s32 $0x1000, s10;
	s16 =	smov.u32 s10;
	p2 =	sgt.s32 s14, $0x31  }
0x16: {  	s16 =	smov.u32 @p2 s12  }
0x17: {  	s14 =	simm.s32 @p2 $0x0;
	p2 =	sgt.s32 s16, $0x3FFF  }
0x18: {  	s16 =	smov.u32 @p2 s2;
	p2 =	sne.s32 s11, s7  }
.Ltmp1:
0x19: {  	p1 =	slt.u32 s11, $0x2;
	(pc) =	sbr.rel @!p2 .LBB1_6-.Ltmp1, $4  }
0x1a: {  	s15 =	simm.s32 @!p1 $0x2  }
0x1b: {  	s13 =	smov.u32 s10;
	p0 =	por !p0, !p0;
	_ =	swait.ge @!p1 [sflag:s15], $0x2000  }
0x1c: {  	s12 =	smov.u32 s9;
	[sflag:s15] =	ssyncset.done @!p1 $0x0;
	s9 =	smov.u32 s14  }
0x1d: {  	s11 =	sadd.s32 $0x1, s11;
	[sflag:s15] =	ssyncadd.s32 @!p1 $0xFFFFE000;
	s10 =	smov.u32 s16  }
.LBB1_1:
0x1e: {  	p1 =	sge.u32 s11, s5  }
0x1f: {  	s14 =	sand.u32 @!p1 $0x1FFFFFF, s9  }
0x20: {  	s15 =	smulhi.u32 @!p1 $0x4924925, s14;
	_ =	sdelay $0x1  }
0x21: {  	s15 =	smul.u32 @!p1 $0x38, s15  }
0x22: {  	s16 =	sxor.u32 @!p1 $0xFFFFFFFF, s11;
	s17 =	smul.u32 @!p1 $0x380, s10  }
0x23: {  	s31 =	sadd.s32 $0xFFFFFFFF, s11;
	s16 =	sshll.u32 @!p1 s16, $0xD;
	s14 =	ssub.s32 @!p1 s14, s15  }
0x24: {  	s15 =	sand.u32 @!p1 $0x2000, s16;
	s16 =	sadd.s32 @!p1 s6, s17;
	s14 =	sshll.u32 @!p1 s14, $0x4  }
0x25: {  	s17 =	simm.s32 @!p1 $0x1C00;
	s14 =	sadd.s32 @!p1 s14, s16;
	s16 =	simm.s32 @!p1 $0x40  }
0x26: {  	[tilespmem:s15], [sflag:$0x1] =	stream.strided.gather @!p1 [hbm4b:s14+s16], $0x2000, s17, s16, $0x38;
	[tilespmem:$0x8080] =	vst v63  }
0x27: {  	p1 =	sge.u32 s31, s5  }
.Ltmp2:
0x28: {  	_ = 	snop;
	(pc) =	sbr.rel @p1 .LBB1_5-.Ltmp2, $1  }
0x29: {  	_ =	sdelay $0x3  }
0x2a: {  	s14 =	simm.s32 $0x1  }
0x2b: {  	_ =	swait.ge [sflag:s4], $0x2000;
	s14 =	simm.s32 @!p0 $0x0  }
0x2c: {  	[sflag:s4] =	ssyncset.done $0x0;
	s15 =	sshll.u32 s14, $0xD  }
0x2d: {  	[sflag:s4] =	ssyncadd.s32 $0xFFFFE000;
	s18 =	sor.u32 $0x20, s15  }
0x2e: {  	s14 =	smul.u32 $0x8100, s14;
	v3 =	vld [tilespmem:s18+$0x10]  }
0x2f: {  	s30 =	sand.u32 $0x1, s11;
	v2 =	vld [tilespmem:s18+$0xFFFFFFF0]  }
0x30: {  	s15 =	smul.u32 $0x8100, s30;
	s14 =	sshrl.u32 s14, $0x2;
	v0 =	vld [tilespmem:s18+$0x0]  }
0x31: {  	v1 =	vld [tilespmem:s18+$0xFFFFFFE0];
	s16 =	sor.u32 $0x4000, s14  }
0x32: {  	s31 =	sshrl.u32 s15, $0x2;
	s15 =	sadd.s32 $0x0, s16  }
0x33: {  	s17 =	simm.s32 $0x4;
	s18 =	sadd.s32 $0x40, s18;
	s14 =	sor.u32 $0x4000, s31;
	[tilespmem:s15+$0x1830 ss:$0x81] =	vst.msk $0xffff, v3  }
.LBB1_3:
0x34: {  	v3 =	vld [tilespmem:s18+$0x10];
	p1 =	sne.s32 s17, $0x1FC;
	[tilespmem:s15+$0x810 ss:$0x81] =	vst.msk $0xffff, v2;
	s19 =	smov.u32 s17;
	s17 =	sadd.s32 $0x4, s17  }
.Ltmp3:
0x35: {  	v2 =	vld [tilespmem:s18+$0xFFFFFFF0];
	[tilespmem:s15+$0x1020 ss:$0x81] =	vst.msk $0xffff, v0;
	(pc) =	sbr.rel @p1 .LBB1_3-.Ltmp3, $4  }
0x36: {  	v0 =	vld [tilespmem:s18+$0x0];
	[tilespmem:s15+$0x0 ss:$0x81] =	vst.msk $0xffff, v1  }
0x37: {  	s15 =	sshra.s32 s19, $0x2;
	v1 =	vld [tilespmem:s18+$0xFFFFFFE0]  }
0x38: {  	s15 =	sadd.s32 s15, s16  }
0x39: {  	s18 =	sadd.s32 $0x40, s18;
	[tilespmem:s15+$0x1830 ss:$0x81] =	vst.msk $0xffff, v3  }
.Ltmp4:
0x3a: {  	_ = 	snop;
	(pc) =	sbr.rel .LBB1_4-.Ltmp4, $1  }
0x3b: {  	_ =	sdelay $0x3  }
.LBB1_6:
0x3c: {  	_ =	sfence.sel $0x180000  }
0x3d: {  	s2 =	simm.s32 $0x1;
	[bflag:$0x0] =	sbarrier.arrive $0xFFFF  }
0x3e: {  	s31 =	simm.s32 $0x2;
	[sflag:s2] =	ssyncpa.u1 $0x1  }
0x3f: {  	[sflag:s31] =	ssyncpa.u1 $0x1  }
0x40: {  	p0 =	sne.s32 s0, $0x0;
	_ =	strace $0x9000004A  }
0x41: {  	s0 =	sadd.s32 @!p0 $0x100000, s1;
	[bflag:$0x2] =	sbarrier.arrive $0xFFFF  }
0x42: {  	[sflag:s0] =	ssyncadd.tile.s32 @!p0 $0x1;
	_ =	shalt  }
.Lfunc_end1:
_tile_overlayer_lowered:
.L_overlay_start_2:
0x43: {  	(tag) =	ssettag $0x2  }
0x44: {  	s0 =	rddreg [dreg:$0x0];
	s2 =	stileid.u32  }
0x45: {  	s1 =	rddreg [dreg:$0x1];
	p0 =	sne.s32 s2, $0x0  }
0x46: {  	s3 =	rddreg [dreg:$0x2];
	[bflag:$0x3] =	sbarrier.arrive $0xFFFF;
	s2 =	simm.s32 @!p0 $0x1C01  }
0x47: {  	[timem:s3], [sflag:s2] =	dma.local @!p0 [hbm:s0], s1  }
0x48: {  	s0 =	simm.s32 @!p0 $0x1  }
0x49: {  	_ =	swait.ge @!p0 [sflag:s0], s1  }
0x4a: {  	s1 =	ssub.s32 @!p0 $0x0, s1;
	[sflag:s0] =	ssyncset.done @!p0 $0x0  }
0x4b: {  	[sflag:s0] =	ssyncadd.s32 @!p0 s1  }
0x4c: {  	[bflag:$0x3] =	sbarrier.arrive $0xFFFF  }
0x4d: {  	_ =	shalt  }

</sc_bundles>
